<compile_context>
chip_gen: v7x
topology: tpu7x:2x2x1
jax: 0.10.2.dev20260603
libtpu: 0.0.44.dev20260713+nightly
codegen_flags: <defaults>
</compile_context>

<pallas_src>
import jax
import jax.numpy as jnp
from jax import lax
from jax.experimental import pallas as pl
from jax.experimental.pallas import tpu as pltpu
from jax.experimental.pallas import tpu_sc as plsc

BATCH = 4096
SEQ = 200
DIM = 128
NCORES = 2
NSUB = 16
NW = NCORES * NSUB
BPT = BATCH // NW
CH0 = 128
CH1 = SEQ - CH0
NVR = DIM // 16
NBUF = 4
UNROLL = 8


def _body(instr_hbm, table_hbm, out_hbm, idx_v, rows_v, stage_v,
          isems, sems, osems):
    c = lax.axis_index("c")
    s = lax.axis_index("s")
    wid = s * NCORES + c
    base = wid * BPT

    def start_idx(b, slot):
        pltpu.async_copy(instr_hbm.at[base + b, :], idx_v.at[slot],
                         isems.at[slot])

    def wait_idx(slot):
        pltpu.make_async_copy(instr_hbm.at[0, :], idx_v.at[slot],
                              isems.at[slot]).wait()

    def start_gather(slot, buf):
        pltpu.async_copy(
            table_hbm.at[idx_v.at[slot, pl.ds(0, CH0)]],
            rows_v.at[buf, pl.ds(0, CH0), :], sems.at[buf])
        pltpu.async_copy(
            table_hbm.at[idx_v.at[slot, pl.ds(CH0, CH1)]],
            rows_v.at[buf, pl.ds(CH0, CH1), :], sems.at[buf])

    def wait_gather(buf):
        pltpu.make_async_copy(
            table_hbm.at[pl.ds(0, CH0), :],
            rows_v.at[buf, pl.ds(0, CH0), :], sems.at[buf]).wait()
        pltpu.make_async_copy(
            table_hbm.at[pl.ds(0, CH1), :],
            rows_v.at[buf, pl.ds(CH0, CH1), :], sems.at[buf]).wait()

    def wait_out(slot):
        pltpu.make_async_copy(
            stage_v.at[slot], out_hbm.at[0, :], osems.at[slot]).wait()

    for j in range(NBUF):
        start_idx(j, j)
    for j in range(NBUF - 1):
        wait_idx(j)
        start_gather(j, j)

    def bag(b, carry):
        p = lax.rem(b, NBUF)
        q = lax.rem(b, 2)

        @pl.when(b + NBUF - 1 < BPT)
        def _():
            slot = lax.rem(b + NBUF - 1, NBUF)
            wait_idx(slot)
            start_gather(slot, slot)

        wait_gather(p)

        @pl.when(b + NBUF < BPT)
        def _():
            start_idx(b + NBUF, p)

        def red(r4, acc):
            r = r4 * UNROLL
            out = []
            for d in range(NVR):
                vals = [rows_v[p, r + k, pl.ds(d * 16, 16)]
                        for k in range(UNROLL)]
                while len(vals) > 1:
                    vals = [vals[i] + vals[i + 1]
                            for i in range(0, len(vals), 2)]
                out.append(acc[d] + vals[0])
            return tuple(out)

        acc = lax.fori_loop(
            0, SEQ // UNROLL, red,
            tuple(jnp.zeros((16,), jnp.float32) for _ in range(NVR)))

        @pl.when(b >= 2)
        def _():
            wait_out(q)

        for d in range(NVR):
            stage_v[q, pl.ds(d * 16, 16)] = acc[d]
        pltpu.async_copy(stage_v.at[q], out_hbm.at[base + b, :],
                         osems.at[q])
        return carry

    lax.fori_loop(0, BPT, bag, 0)
    wait_out(0)
    wait_out(1)


def kernel(instruction, table):
    mesh = plsc.VectorSubcoreMesh(
        core_axis_name="c", subcore_axis_name="s",
        num_cores=NCORES, num_subcores=NSUB)
    run = pl.kernel(
        _body,
        out_type=jax.ShapeDtypeStruct((BATCH, DIM), jnp.float32),
        mesh=mesh,
        scratch_types=[
            pltpu.VMEM((NBUF, SEQ), jnp.int32),
            pltpu.VMEM((NBUF, SEQ, DIM), jnp.float32),
            pltpu.VMEM((2, DIM), jnp.float32),
            pltpu.SemaphoreType.DMA((NBUF,)),
            pltpu.SemaphoreType.DMA((NBUF,)),
            pltpu.SemaphoreType.DMA((2,)),
        ],
    )
    return run(instruction.astype(jnp.int32), table)

# --- scband reference (transcript-rebuilt; emitter-appended) ---
"""Pipeline reference for scband-instruction-encoder-22316650070165 (READ-ONLY COPY).

The authoritative reference and input builder live on the scoring server;
editing this copy changes nothing except your own understanding.
"""

import jax, jax.numpy as jnp
import numpy as np

VOCAB = 1000000
EMBED_DIM = 128
BATCH = 4096
SEQ_LEN = 200

def setup_inputs(seed: int = 0) -> dict:
    key = jax.random.key(seed)
    k1, k2 = jax.random.split(key)
    instruction = jax.random.randint(k1, (BATCH, SEQ_LEN), 0, VOCAB, dtype=jnp.int64 if jax.config.jax_enable_x64 else jnp.int32)
    table = jax.random.normal(k2, (VOCAB, EMBED_DIM), dtype=jnp.float32) * 0.02
    return {"instruction": instruction, "table": table}

def reference(instruction, table):
    # nn.EmbeddingBag(vocab, 128, mode='sum') on a 2D input with offsets=None:
    # each row of `instruction` is one bag; gather rows then sum over sequence dim.
    gathered = jnp.take(table, instruction, axis=0)  # [B, L, 128]
    return gathered.sum(axis=1)  # [B, 128]

if __name__ == "__main__":
    import jax
    _d = setup_inputs()
    print(jax.jit(kernel)(*tuple(_d.values())))

</pallas_src>

<mosaic_0001>
#map = affine_map<(d0, d1) -> (0, 0)>
module attributes {stable_mosaic.version = 14 : i64} {
  func.func @_body(%arg0: i32, %arg1: i32, %arg2: memref<4096x200xi32, #tpu.memory_space<hbm>>, %arg3: memref<1000000x128xf32, #tpu.memory_space<hbm>>, %arg4: memref<4096x128xf32, #tpu.memory_space<hbm>>, %arg5: memref<4x200xi32, #tpu.memory_space<vmem>>, %arg6: memref<4x200x128xf32, #tpu.memory_space<vmem>>, %arg7: memref<2x128xf32, #tpu.memory_space<vmem>>, %arg8: memref<4x!tpu.dma_semaphore, #tpu.memory_space<semaphore_mem>>, %arg9: memref<4x!tpu.dma_semaphore, #tpu.memory_space<semaphore_mem>>, %arg10: memref<2x!tpu.dma_semaphore, #tpu.memory_space<semaphore_mem>>) attributes {dimension_semantics = [#tpu.dimension_semantics<core_parallel>, #tpu.dimension_semantics<subcore_parallel>], iteration_bounds = array<i64: 2, 16>, scalar_prefetch = 0 : i64, scratch_operands = 6 : i64, tpu.core_type = #tpu.core_type<sc_vector_subcore>, window_params = [{transform_indices = #map}, {transform_indices = #map}, {transform_indices = #map}]} {
    %mul3A = arith.constant 2 : i32
    %mul3A_0 = arith.muli %arg1, %mul3A : i32
    %add3A = arith.addi %mul3A_0, %arg0 : i32
    %mul3A_1 = arith.constant 128 : i32
    %mul3A_2 = arith.muli %add3A, %mul3A_1 : i32
    %add3A_3 = arith.constant 0 : i32
    %add3A_4 = arith.addi %mul3A_2, %add3A_3 : i32
    %dma_start3A = arith.constant 0 : i32
    %dma_start3A_5 = arith.constant 0 : i32
    %dma_start3A_6 = arith.constant 0 : i32
    %dma_start3A_7 = tpu.memref_slice %arg5[%dma_start3A, %dma_start3A_6] : memref<4x200xi32, #tpu.memory_space<vmem>> -> memref<1x200xi32, #tpu.memory_space<vmem>>
    %dma_start3A_8 = tpu.memref_squeeze %dma_start3A_7 : memref<1x200xi32, #tpu.memory_space<vmem>> -> memref<200xi32, #tpu.memory_space<vmem>>
    %dma_start3A_9 = arith.constant 0 : i32
    %dma_start3A_10 = tpu.memref_slice %arg2[%add3A_4, %dma_start3A_9] : memref<4096x200xi32, #tpu.memory_space<hbm>> -> memref<1x200xi32, #tpu.memory_space<hbm>>
    %dma_start3A_11 = tpu.memref_squeeze %dma_start3A_10 : memref<1x200xi32, #tpu.memory_space<hbm>> -> memref<200xi32, #tpu.memory_space<hbm>>
    %dma_start3A_12 = tpu.memref_slice %arg8[%dma_start3A_5] : memref<4x!tpu.dma_semaphore, #tpu.memory_space<semaphore_mem>> -> memref<1x!tpu.dma_semaphore, #tpu.memory_space<semaphore_mem>>
    %dma_start3A_13 = tpu.memref_squeeze %dma_start3A_12 : memref<1x!tpu.dma_semaphore, #tpu.memory_space<semaphore_mem>> -> memref<!tpu.dma_semaphore, #tpu.memory_space<semaphore_mem>>
    %dma_start3A_14 = arith.constant 0 : i32
    %dma_start3A_15 = tpu.memref_slice %arg5[%dma_start3A, %dma_start3A_14] : memref<4x200xi32, #tpu.memory_space<vmem>> -> memref<1x200xi32, #tpu.memory_space<vmem>>
    %dma_start3A_16 = tpu.memref_squeeze %dma_start3A_15 : memref<1x200xi32, #tpu.memory_space<vmem>> -> memref<200xi32, #tpu.memory_space<vmem>>
    %dma_start3A_17 = arith.constant 0 : i32
    %dma_start3A_18 = tpu.memref_slice %arg2[%add3A_4, %dma_start3A_17] : memref<4096x200xi32, #tpu.memory_space<hbm>> -> memref<1x200xi32, #tpu.memory_space<hbm>>
    %dma_start3A_19 = tpu.memref_squeeze %dma_start3A_18 : memref<1x200xi32, #tpu.memory_space<hbm>> -> memref<200xi32, #tpu.memory_space<hbm>>
    tpu.enqueue_dma source(%dma_start3A_19 : memref<200xi32, #tpu.memory_space<hbm>>) target(%dma_start3A_16 : memref<200xi32, #tpu.memory_space<vmem>>) target_semaphore(%dma_start3A_13 : memref<!tpu.dma_semaphore, #tpu.memory_space<semaphore_mem>>)
    %add3A_20 = arith.constant 1 : i32
    %add3A_21 = arith.addi %mul3A_2, %add3A_20 : i32
    %dma_start3A_22 = arith.constant 1 : i32
    %dma_start3A_23 = arith.constant 1 : i32
    %dma_start3A_24 = arith.constant 0 : i32
    %dma_start3A_25 = tpu.memref_slice %arg5[%dma_start3A_22, %dma_start3A_24] : memref<4x200xi32, #tpu.memory_space<vmem>> -> memref<1x200xi32, #tpu.memory_space<vmem>>
    %dma_start3A_26 = tpu.memref_squeeze %dma_start3A_25 : memref<1x200xi32, #tpu.memory_space<vmem>> -> memref<200xi32, #tpu.memory_space<vmem>>
    %dma_start3A_27 = arith.constant 0 : i32
    %dma_start3A_28 = tpu.memref_slice %arg2[%add3A_21, %dma_start3A_27] : memref<4096x200xi32, #tpu.memory_space<hbm>> -> memref<1x200xi32, #tpu.memory_space<hbm>>
    %dma_start3A_29 = tpu.memref_squeeze %dma_start3A_28 : memref<1x200xi32, #tpu.memory_space<hbm>> -> memref<200xi32, #tpu.memory_space<hbm>>
    %dma_start3A_30 = tpu.memref_slice %arg8[%dma_start3A_23] : memref<4x!tpu.dma_semaphore, #tpu.memory_space<semaphore_mem>> -> memref<1x!tpu.dma_semaphore, #tpu.memory_space<semaphore_mem>>
    %dma_start3A_31 = tpu.memref_squeeze %dma_start3A_30 : memref<1x!tpu.dma_semaphore, #tpu.memory_space<semaphore_mem>> -> memref<!tpu.dma_semaphore, #tpu.memory_space<semaphore_mem>>
    %dma_start3A_32 = arith.constant 0 : i32
    %dma_start3A_33 = tpu.memref_slice %arg5[%dma_start3A_22, %dma_start3A_32] : memref<4x200xi32, #tpu.memory_space<vmem>> -> memref<1x200xi32, #tpu.memory_space<vmem>>
    %dma_start3A_34 = tpu.memref_squeeze %dma_start3A_33 : memref<1x200xi32, #tpu.memory_space<vmem>> -> memref<200xi32, #tpu.memory_space<vmem>>
    %dma_start3A_35 = arith.constant 0 : i32
    %dma_start3A_36 = tpu.memref_slice %arg2[%add3A_21, %dma_start3A_35] : memref<4096x200xi32, #tpu.memory_space<hbm>> -> memref<1x200xi32, #tpu.memory_space<hbm>>
    %dma_start3A_37 = tpu.memref_squeeze %dma_start3A_36 : memref<1x200xi32, #tpu.memory_space<hbm>> -> memref<200xi32, #tpu.memory_space<hbm>>
    tpu.enqueue_dma source(%dma_start3A_37 : memref<200xi32, #tpu.memory_space<hbm>>) target(%dma_start3A_34 : memref<200xi32, #tpu.memory_space<vmem>>) target_semaphore(%dma_start3A_31 : memref<!tpu.dma_semaphore, #tpu.memory_space<semaphore_mem>>)
    %add3A_38 = arith.constant 2 : i32
    %add3A_39 = arith.addi %mul3A_2, %add3A_38 : i32
    %dma_start3A_40 = arith.constant 2 : i32
    %dma_start3A_41 = arith.constant 2 : i32
    %dma_start3A_42 = arith.constant 0 : i32
    %dma_start3A_43 = tpu.memref_slice %arg5[%dma_start3A_40, %dma_start3A_42] : memref<4x200xi32, #tpu.memory_space<vmem>> -> memref<1x200xi32, #tpu.memory_space<vmem>>
    %dma_start3A_44 = tpu.memref_squeeze %dma_start3A_43 : memref<1x200xi32, #tpu.memory_space<vmem>> -> memref<200xi32, #tpu.memory_space<vmem>>
    %dma_start3A_45 = arith.constant 0 : i32
    %dma_start3A_46 = tpu.memref_slice %arg2[%add3A_39, %dma_start3A_45] : memref<4096x200xi32, #tpu.memory_space<hbm>> -> memref<1x200xi32, #tpu.memory_space<hbm>>
    %dma_start3A_47 = tpu.memref_squeeze %dma_start3A_46 : memref<1x200xi32, #tpu.memory_space<hbm>> -> memref<200xi32, #tpu.memory_space<hbm>>
    %dma_start3A_48 = tpu.memref_slice %arg8[%dma_start3A_41] : memref<4x!tpu.dma_semaphore, #tpu.memory_space<semaphore_mem>> -> memref<1x!tpu.dma_semaphore, #tpu.memory_space<semaphore_mem>>
    %dma_start3A_49 = tpu.memref_squeeze %dma_start3A_48 : memref<1x!tpu.dma_semaphore, #tpu.memory_space<semaphore_mem>> -> memref<!tpu.dma_semaphore, #tpu.memory_space<semaphore_mem>>
    %dma_start3A_50 = arith.constant 0 : i32
    %dma_start3A_51 = tpu.memref_slice %arg5[%dma_start3A_40, %dma_start3A_50] : memref<4x200xi32, #tpu.memory_space<vmem>> -> memref<1x200xi32, #tpu.memory_space<vmem>>
    %dma_start3A_52 = tpu.memref_squeeze %dma_start3A_51 : memref<1x200xi32, #tpu.memory_space<vmem>> -> memref<200xi32, #tpu.memory_space<vmem>>
    %dma_start3A_53 = arith.constant 0 : i32
    %dma_start3A_54 = tpu.memref_slice %arg2[%add3A_39, %dma_start3A_53] : memref<4096x200xi32, #tpu.memory_space<hbm>> -> memref<1x200xi32, #tpu.memory_space<hbm>>
    %dma_start3A_55 = tpu.memref_squeeze %dma_start3A_54 : memref<1x200xi32, #tpu.memory_space<hbm>> -> memref<200xi32, #tpu.memory_space<hbm>>
    tpu.enqueue_dma source(%dma_start3A_55 : memref<200xi32, #tpu.memory_space<hbm>>) target(%dma_start3A_52 : memref<200xi32, #tpu.memory_space<vmem>>) target_semaphore(%dma_start3A_49 : memref<!tpu.dma_semaphore, #tpu.memory_space<semaphore_mem>>)
    %add3A_56 = arith.constant 3 : i32
    %add3A_57 = arith.addi %mul3A_2, %add3A_56 : i32
    %dma_start3A_58 = arith.constant 3 : i32
    %dma_start3A_59 = arith.constant 3 : i32
    %dma_start3A_60 = arith.constant 0 : i32
    %dma_start3A_61 = tpu.memref_slice %arg5[%dma_start3A_58, %dma_start3A_60] : memref<4x200xi32, #tpu.memory_space<vmem>> -> memref<1x200xi32, #tpu.memory_space<vmem>>
    %dma_start3A_62 = tpu.memref_squeeze %dma_start3A_61 : memref<1x200xi32, #tpu.memory_space<vmem>> -> memref<200xi32, #tpu.memory_space<vmem>>
    %dma_start3A_63 = arith.constant 0 : i32
    %dma_start3A_64 = tpu.memref_slice %arg2[%add3A_57, %dma_start3A_63] : memref<4096x200xi32, #tpu.memory_space<hbm>> -> memref<1x200xi32, #tpu.memory_space<hbm>>
    %dma_start3A_65 = tpu.memref_squeeze %dma_start3A_64 : memref<1x200xi32, #tpu.memory_space<hbm>> -> memref<200xi32, #tpu.memory_space<hbm>>
    %dma_start3A_66 = tpu.memref_slice %arg8[%dma_start3A_59] : memref<4x!tpu.dma_semaphore, #tpu.memory_space<semaphore_mem>> -> memref<1x!tpu.dma_semaphore, #tpu.memory_space<semaphore_mem>>
    %dma_start3A_67 = tpu.memref_squeeze %dma_start3A_66 : memref<1x!tpu.dma_semaphore, #tpu.memory_space<semaphore_mem>> -> memref<!tpu.dma_semaphore, #tpu.memory_space<semaphore_mem>>
    %dma_start3A_68 = arith.constant 0 : i32
    %dma_start3A_69 = tpu.memref_slice %arg5[%dma_start3A_58, %dma_start3A_68] : memref<4x200xi32, #tpu.memory_space<vmem>> -> memref<1x200xi32, #tpu.memory_space<vmem>>
    %dma_start3A_70 = tpu.memref_squeeze %dma_start3A_69 : memref<1x200xi32, #tpu.memory_space<vmem>> -> memref<200xi32, #tpu.memory_space<vmem>>
    %dma_start3A_71 = arith.constant 0 : i32
    %dma_start3A_72 = tpu.memref_slice %arg2[%add3A_57, %dma_start3A_71] : memref<4096x200xi32, #tpu.memory_space<hbm>> -> memref<1x200xi32, #tpu.memory_space<hbm>>
    %dma_start3A_73 = tpu.memref_squeeze %dma_start3A_72 : memref<1x200xi32, #tpu.memory_space<hbm>> -> memref<200xi32, #tpu.memory_space<hbm>>
    tpu.enqueue_dma source(%dma_start3A_73 : memref<200xi32, #tpu.memory_space<hbm>>) target(%dma_start3A_70 : memref<200xi32, #tpu.memory_space<vmem>>) target_semaphore(%dma_start3A_67 : memref<!tpu.dma_semaphore, #tpu.memory_space<semaphore_mem>>)
    %dma_wait3A = arith.constant 0 : i32
    %dma_wait3A_74 = arith.constant 0 : i32
    %dma_wait3A_75 = arith.constant 0 : i32
    %dma_wait3A_76 = arith.constant 0 : i32
    %dma_wait3A_77 = tpu.memref_slice %arg5[%dma_wait3A_74, %dma_wait3A_76] : memref<4x200xi32, #tpu.memory_space<vmem>> -> memref<1x200xi32, #tpu.memory_space<vmem>>
    %dma_wait3A_78 = tpu.memref_squeeze %dma_wait3A_77 : memref<1x200xi32, #tpu.memory_space<vmem>> -> memref<200xi32, #tpu.memory_space<vmem>>
    %dma_wait3A_79 = arith.constant 0 : i32
    %dma_wait3A_80 = tpu.memref_slice %arg2[%dma_wait3A, %dma_wait3A_79] : memref<4096x200xi32, #tpu.memory_space<hbm>> -> memref<1x200xi32, #tpu.memory_space<hbm>>
    %dma_wait3A_81 = tpu.memref_squeeze %dma_wait3A_80 : memref<1x200xi32, #tpu.memory_space<hbm>> -> memref<200xi32, #tpu.memory_space<hbm>>
    %dma_wait3A_82 = tpu.memref_slice %arg8[%dma_wait3A_75] : memref<4x!tpu.dma_semaphore, #tpu.memory_space<semaphore_mem>> -> memref<1x!tpu.dma_semaphore, #tpu.memory_space<semaphore_mem>>
    %dma_wait3A_83 = tpu.memref_squeeze %dma_wait3A_82 : memref<1x!tpu.dma_semaphore, #tpu.memory_space<semaphore_mem>> -> memref<!tpu.dma_semaphore, #tpu.memory_space<semaphore_mem>>
    %dma_wait3A_84 = arith.constant 0 : i32
    %dma_wait3A_85 = tpu.memref_slice %arg5[%dma_wait3A_74, %dma_wait3A_84] : memref<4x200xi32, #tpu.memory_space<vmem>> -> memref<1x200xi32, #tpu.memory_space<vmem>>
    %dma_wait3A_86 = tpu.memref_squeeze %dma_wait3A_85 : memref<1x200xi32, #tpu.memory_space<vmem>> -> memref<200xi32, #tpu.memory_space<vmem>>
    %dma_wait3A_87 = arith.constant 0 : i32
    %dma_wait3A_88 = tpu.memref_slice %arg2[%dma_wait3A, %dma_wait3A_87] : memref<4096x200xi32, #tpu.memory_space<hbm>> -> memref<1x200xi32, #tpu.memory_space<hbm>>
    %dma_wait3A_89 = tpu.memref_squeeze %dma_wait3A_88 : memref<1x200xi32, #tpu.memory_space<hbm>> -> memref<200xi32, #tpu.memory_space<hbm>>
    tpu.wait_dma2 semaphore(%dma_wait3A_83 : memref<!tpu.dma_semaphore, #tpu.memory_space<semaphore_mem>>) src(%dma_wait3A_89 : memref<200xi32, #tpu.memory_space<hbm>>) dst(%dma_wait3A_86 : memref<200xi32, #tpu.memory_space<vmem>>)
    %dma_start3A_90 = arith.constant 0 : i32
    %dma_start3A_91 = arith.constant 0 : i32
    %dma_start3A_92 = arith.constant 0 : i32
    %dma_start3A_93 = arith.constant 0 : i32
    %dma_start3A_94 = arith.constant 0 : i32
    %dma_start3A_95 = tpu.memref_slice %arg6[%dma_start3A_91, %dma_start3A_93, %dma_start3A_94] : memref<4x200x128xf32, #tpu.memory_space<vmem>> -> memref<1x128x128xf32, #tpu.memory_space<vmem>>
    %dma_start3A_96 = tpu.memref_squeeze %dma_start3A_95 : memref<1x128x128xf32, #tpu.memory_space<vmem>> -> memref<128x128xf32, #tpu.memory_space<vmem>>
    %dma_start3A_97 = arith.constant 0 : i32
    %dma_start3A_98 = tpu.memref_slice %arg5[%dma_start3A_90, %dma_start3A_97] : memref<4x200xi32, #tpu.memory_space<vmem>> -> memref<1x128xi32, #tpu.memory_space<vmem>>
    %dma_start3A_99 = tpu.memref_squeeze %dma_start3A_98 : memref<1x128xi32, #tpu.memory_space<vmem>> -> memref<128xi32, #tpu.memory_space<vmem>>
    %dma_start3A_100 = arith.constant 0 : i32
    %dma_start3A_101 = arith.constant 0 : i32
    %dma_start3A_102 = tpu.memref_slice %arg3[%dma_start3A_100, %dma_start3A_101] : memref<1000000x128xf32, #tpu.memory_space<hbm>> -> memref<1000000x128xf32, #tpu.memory_space<hbm>>
    %dma_start3A_103 = tpu.memref_slice %arg9[%dma_start3A_92] : memref<4x!tpu.dma_semaphore, #tpu.memory_space<semaphore_mem>> -> memref<1x!tpu.dma_semaphore, #tpu.memory_space<semaphore_mem>>
    %dma_start3A_104 = tpu.memref_squeeze %dma_start3A_103 : memref<1x!tpu.dma_semaphore, #tpu.memory_space<semaphore_mem>> -> memref<!tpu.dma_semaphore, #tpu.memory_space<semaphore_mem>>
    tpu.enqueue_indirect_dma source(%dma_start3A_102 : memref<1000000x128xf32, #tpu.memory_space<hbm>>) target(%dma_start3A_96 : memref<128x128xf32, #tpu.memory_space<vmem>>) offsets(%dma_start3A_99 : memref<128xi32, #tpu.memory_space<vmem>>) semaphore(%dma_start3A_104 : memref<!tpu.dma_semaphore, #tpu.memory_space<semaphore_mem>>)
    %dma_start3A_105 = arith.constant 0 : i32
    %dma_start3A_106 = arith.constant 0 : i32
    %dma_start3A_107 = arith.constant 0 : i32
    %dma_start3A_108 = arith.constant 128 : i32
    %dma_start3A_109 = arith.constant 0 : i32
    %dma_start3A_110 = tpu.memref_slice %arg6[%dma_start3A_106, %dma_start3A_108, %dma_start3A_109] : memref<4x200x128xf32, #tpu.memory_space<vmem>> -> memref<1x72x128xf32, #tpu.memory_space<vmem>>
    %dma_start3A_111 = tpu.memref_squeeze %dma_start3A_110 : memref<1x72x128xf32, #tpu.memory_space<vmem>> -> memref<72x128xf32, #tpu.memory_space<vmem>>
    %dma_start3A_112 = arith.constant 128 : i32
    %dma_start3A_113 = tpu.memref_slice %arg5[%dma_start3A_105, %dma_start3A_112] : memref<4x200xi32, #tpu.memory_space<vmem>> -> memref<1x72xi32, #tpu.memory_space<vmem>>
    %dma_start3A_114 = tpu.memref_squeeze %dma_start3A_113 : memref<1x72xi32, #tpu.memory_space<vmem>> -> memref<72xi32, #tpu.memory_space<vmem>>
    %dma_start3A_115 = arith.constant 0 : i32
    %dma_start3A_116 = arith.constant 0 : i32
    %dma_start3A_117 = tpu.memref_slice %arg3[%dma_start3A_115, %dma_start3A_116] : memref<1000000x128xf32, #tpu.memory_space<hbm>> -> memref<1000000x128xf32, #tpu.memory_space<hbm>>
    %dma_start3A_118 = tpu.memref_slice %arg9[%dma_start3A_107] : memref<4x!tpu.dma_semaphore, #tpu.memory_space<semaphore_mem>> -> memref<1x!tpu.dma_semaphore, #tpu.memory_space<semaphore_mem>>
    %dma_start3A_119 = tpu.memref_squeeze %dma_start3A_118 : memref<1x!tpu.dma_semaphore, #tpu.memory_space<semaphore_mem>> -> memref<!tpu.dma_semaphore, #tpu.memory_space<semaphore_mem>>
    tpu.enqueue_indirect_dma source(%dma_start3A_117 : memref<1000000x128xf32, #tpu.memory_space<hbm>>) target(%dma_start3A_111 : memref<72x128xf32, #tpu.memory_space<vmem>>) offsets(%dma_start3A_114 : memref<72xi32, #tpu.memory_space<vmem>>) semaphore(%dma_start3A_119 : memref<!tpu.dma_semaphore, #tpu.memory_space<semaphore_mem>>)
    %dma_wait3A_120 = arith.constant 0 : i32
    %dma_wait3A_121 = arith.constant 1 : i32
    %dma_wait3A_122 = arith.constant 1 : i32
    %dma_wait3A_123 = arith.constant 0 : i32
    %dma_wait3A_124 = tpu.memref_slice %arg5[%dma_wait3A_121, %dma_wait3A_123] : memref<4x200xi32, #tpu.memory_space<vmem>> -> memref<1x200xi32, #tpu.memory_space<vmem>>
    %dma_wait3A_125 = tpu.memref_squeeze %dma_wait3A_124 : memref<1x200xi32, #tpu.memory_space<vmem>> -> memref<200xi32, #tpu.memory_space<vmem>>
    %dma_wait3A_126 = arith.constant 0 : i32
    %dma_wait3A_127 = tpu.memref_slice %arg2[%dma_wait3A_120, %dma_wait3A_126] : memref<4096x200xi32, #tpu.memory_space<hbm>> -> memref<1x200xi32, #tpu.memory_space<hbm>>
    %dma_wait3A_128 = tpu.memref_squeeze %dma_wait3A_127 : memref<1x200xi32, #tpu.memory_space<hbm>> -> memref<200xi32, #tpu.memory_space<hbm>>
    %dma_wait3A_129 = tpu.memref_slice %arg8[%dma_wait3A_122] : memref<4x!tpu.dma_semaphore, #tpu.memory_space<semaphore_mem>> -> memref<1x!tpu.dma_semaphore, #tpu.memory_space<semaphore_mem>>
    %dma_wait3A_130 = tpu.memref_squeeze %dma_wait3A_129 : memref<1x!tpu.dma_semaphore, #tpu.memory_space<semaphore_mem>> -> memref<!tpu.dma_semaphore, #tpu.memory_space<semaphore_mem>>
    %dma_wait3A_131 = arith.constant 0 : i32
    %dma_wait3A_132 = tpu.memref_slice %arg5[%dma_wait3A_121, %dma_wait3A_131] : memref<4x200xi32, #tpu.memory_space<vmem>> -> memref<1x200xi32, #tpu.memory_space<vmem>>
    %dma_wait3A_133 = tpu.memref_squeeze %dma_wait3A_132 : memref<1x200xi32, #tpu.memory_space<vmem>> -> memref<200xi32, #tpu.memory_space<vmem>>
    %dma_wait3A_134 = arith.constant 0 : i32
    %dma_wait3A_135 = tpu.memref_slice %arg2[%dma_wait3A_120, %dma_wait3A_134] : memref<4096x200xi32, #tpu.memory_space<hbm>> -> memref<1x200xi32, #tpu.memory_space<hbm>>
    %dma_wait3A_136 = tpu.memref_squeeze %dma_wait3A_135 : memref<1x200xi32, #tpu.memory_space<hbm>> -> memref<200xi32, #tpu.memory_space<hbm>>
    tpu.wait_dma2 semaphore(%dma_wait3A_130 : memref<!tpu.dma_semaphore, #tpu.memory_space<semaphore_mem>>) src(%dma_wait3A_136 : memref<200xi32, #tpu.memory_space<hbm>>) dst(%dma_wait3A_133 : memref<200xi32, #tpu.memory_space<vmem>>)
    %dma_start3A_137 = arith.constant 1 : i32
    %dma_start3A_138 = arith.constant 1 : i32
    %dma_start3A_139 = arith.constant 1 : i32
    %dma_start3A_140 = arith.constant 0 : i32
    %dma_start3A_141 = arith.constant 0 : i32
    %dma_start3A_142 = tpu.memref_slice %arg6[%dma_start3A_138, %dma_start3A_140, %dma_start3A_141] : memref<4x200x128xf32, #tpu.memory_space<vmem>> -> memref<1x128x128xf32, #tpu.memory_space<vmem>>
    %dma_start3A_143 = tpu.memref_squeeze %dma_start3A_142 : memref<1x128x128xf32, #tpu.memory_space<vmem>> -> memref<128x128xf32, #tpu.memory_space<vmem>>
    %dma_start3A_144 = arith.constant 0 : i32
    %dma_start3A_145 = tpu.memref_slice %arg5[%dma_start3A_137, %dma_start3A_144] : memref<4x200xi32, #tpu.memory_space<vmem>> -> memref<1x128xi32, #tpu.memory_space<vmem>>
    %dma_start3A_146 = tpu.memref_squeeze %dma_start3A_145 : memref<1x128xi32, #tpu.memory_space<vmem>> -> memref<128xi32, #tpu.memory_space<vmem>>
    %dma_start3A_147 = arith.constant 0 : i32
    %dma_start3A_148 = arith.constant 0 : i32
    %dma_start3A_149 = tpu.memref_slice %arg3[%dma_start3A_147, %dma_start3A_148] : memref<1000000x128xf32, #tpu.memory_space<hbm>> -> memref<1000000x128xf32, #tpu.memory_space<hbm>>
    %dma_start3A_150 = tpu.memref_slice %arg9[%dma_start3A_139] : memref<4x!tpu.dma_semaphore, #tpu.memory_space<semaphore_mem>> -> memref<1x!tpu.dma_semaphore, #tpu.memory_space<semaphore_mem>>
    %dma_start3A_151 = tpu.memref_squeeze %dma_start3A_150 : memref<1x!tpu.dma_semaphore, #tpu.memory_space<semaphore_mem>> -> memref<!tpu.dma_semaphore, #tpu.memory_space<semaphore_mem>>
    tpu.enqueue_indirect_dma source(%dma_start3A_149 : memref<1000000x128xf32, #tpu.memory_space<hbm>>) target(%dma_start3A_143 : memref<128x128xf32, #tpu.memory_space<vmem>>) offsets(%dma_start3A_146 : memref<128xi32, #tpu.memory_space<vmem>>) semaphore(%dma_start3A_151 : memref<!tpu.dma_semaphore, #tpu.memory_space<semaphore_mem>>)
    %dma_start3A_152 = arith.constant 1 : i32
    %dma_start3A_153 = arith.constant 1 : i32
    %dma_start3A_154 = arith.constant 1 : i32
    %dma_start3A_155 = arith.constant 128 : i32
    %dma_start3A_156 = arith.constant 0 : i32
    %dma_start3A_157 = tpu.memref_slice %arg6[%dma_start3A_153, %dma_start3A_155, %dma_start3A_156] : memref<4x200x128xf32, #tpu.memory_space<vmem>> -> memref<1x72x128xf32, #tpu.memory_space<vmem>>
    %dma_start3A_158 = tpu.memref_squeeze %dma_start3A_157 : memref<1x72x128xf32, #tpu.memory_space<vmem>> -> memref<72x128xf32, #tpu.memory_space<vmem>>
    %dma_start3A_159 = arith.constant 128 : i32
    %dma_start3A_160 = tpu.memref_slice %arg5[%dma_start3A_152, %dma_start3A_159] : memref<4x200xi32, #tpu.memory_space<vmem>> -> memref<1x72xi32, #tpu.memory_space<vmem>>
    %dma_start3A_161 = tpu.memref_squeeze %dma_start3A_160 : memref<1x72xi32, #tpu.memory_space<vmem>> -> memref<72xi32, #tpu.memory_space<vmem>>
    %dma_start3A_162 = arith.constant 0 : i32
    %dma_start3A_163 = arith.constant 0 : i32
    %dma_start3A_164 = tpu.memref_slice %arg3[%dma_start3A_162, %dma_start3A_163] : memref<1000000x128xf32, #tpu.memory_space<hbm>> -> memref<1000000x128xf32, #tpu.memory_space<hbm>>
    %dma_start3A_165 = tpu.memref_slice %arg9[%dma_start3A_154] : memref<4x!tpu.dma_semaphore, #tpu.memory_space<semaphore_mem>> -> memref<1x!tpu.dma_semaphore, #tpu.memory_space<semaphore_mem>>
    %dma_start3A_166 = tpu.memref_squeeze %dma_start3A_165 : memref<1x!tpu.dma_semaphore, #tpu.memory_space<semaphore_mem>> -> memref<!tpu.dma_semaphore, #tpu.memory_space<semaphore_mem>>
    tpu.enqueue_indirect_dma source(%dma_start3A_164 : memref<1000000x128xf32, #tpu.memory_space<hbm>>) target(%dma_start3A_158 : memref<72x128xf32, #tpu.memory_space<vmem>>) offsets(%dma_start3A_161 : memref<72xi32, #tpu.memory_space<vmem>>) semaphore(%dma_start3A_166 : memref<!tpu.dma_semaphore, #tpu.memory_space<semaphore_mem>>)
    %dma_wait3A_167 = arith.constant 0 : i32
    %dma_wait3A_168 = arith.constant 2 : i32
    %dma_wait3A_169 = arith.constant 2 : i32
    %dma_wait3A_170 = arith.constant 0 : i32
    %dma_wait3A_171 = tpu.memref_slice %arg5[%dma_wait3A_168, %dma_wait3A_170] : memref<4x200xi32, #tpu.memory_space<vmem>> -> memref<1x200xi32, #tpu.memory_space<vmem>>
    %dma_wait3A_172 = tpu.memref_squeeze %dma_wait3A_171 : memref<1x200xi32, #tpu.memory_space<vmem>> -> memref<200xi32, #tpu.memory_space<vmem>>
    %dma_wait3A_173 = arith.constant 0 : i32
    %dma_wait3A_174 = tpu.memref_slice %arg2[%dma_wait3A_167, %dma_wait3A_173] : memref<4096x200xi32, #tpu.memory_space<hbm>> -> memref<1x200xi32, #tpu.memory_space<hbm>>
    %dma_wait3A_175 = tpu.memref_squeeze %dma_wait3A_174 : memref<1x200xi32, #tpu.memory_space<hbm>> -> memref<200xi32, #tpu.memory_space<hbm>>
    %dma_wait3A_176 = tpu.memref_slice %arg8[%dma_wait3A_169] : memref<4x!tpu.dma_semaphore, #tpu.memory_space<semaphore_mem>> -> memref<1x!tpu.dma_semaphore, #tpu.memory_space<semaphore_mem>>
    %dma_wait3A_177 = tpu.memref_squeeze %dma_wait3A_176 : memref<1x!tpu.dma_semaphore, #tpu.memory_space<semaphore_mem>> -> memref<!tpu.dma_semaphore, #tpu.memory_space<semaphore_mem>>
    %dma_wait3A_178 = arith.constant 0 : i32
    %dma_wait3A_179 = tpu.memref_slice %arg5[%dma_wait3A_168, %dma_wait3A_178] : memref<4x200xi32, #tpu.memory_space<vmem>> -> memref<1x200xi32, #tpu.memory_space<vmem>>
    %dma_wait3A_180 = tpu.memref_squeeze %dma_wait3A_179 : memref<1x200xi32, #tpu.memory_space<vmem>> -> memref<200xi32, #tpu.memory_space<vmem>>
    %dma_wait3A_181 = arith.constant 0 : i32
    %dma_wait3A_182 = tpu.memref_slice %arg2[%dma_wait3A_167, %dma_wait3A_181] : memref<4096x200xi32, #tpu.memory_space<hbm>> -> memref<1x200xi32, #tpu.memory_space<hbm>>
    %dma_wait3A_183 = tpu.memref_squeeze %dma_wait3A_182 : memref<1x200xi32, #tpu.memory_space<hbm>> -> memref<200xi32, #tpu.memory_space<hbm>>
    tpu.wait_dma2 semaphore(%dma_wait3A_177 : memref<!tpu.dma_semaphore, #tpu.memory_space<semaphore_mem>>) src(%dma_wait3A_183 : memref<200xi32, #tpu.memory_space<hbm>>) dst(%dma_wait3A_180 : memref<200xi32, #tpu.memory_space<vmem>>)
    %dma_start3A_184 = arith.constant 2 : i32
    %dma_start3A_185 = arith.constant 2 : i32
    %dma_start3A_186 = arith.constant 2 : i32
    %dma_start3A_187 = arith.constant 0 : i32
    %dma_start3A_188 = arith.constant 0 : i32
    %dma_start3A_189 = tpu.memref_slice %arg6[%dma_start3A_185, %dma_start3A_187, %dma_start3A_188] : memref<4x200x128xf32, #tpu.memory_space<vmem>> -> memref<1x128x128xf32, #tpu.memory_space<vmem>>
    %dma_start3A_190 = tpu.memref_squeeze %dma_start3A_189 : memref<1x128x128xf32, #tpu.memory_space<vmem>> -> memref<128x128xf32, #tpu.memory_space<vmem>>
    %dma_start3A_191 = arith.constant 0 : i32
    %dma_start3A_192 = tpu.memref_slice %arg5[%dma_start3A_184, %dma_start3A_191] : memref<4x200xi32, #tpu.memory_space<vmem>> -> memref<1x128xi32, #tpu.memory_space<vmem>>
    %dma_start3A_193 = tpu.memref_squeeze %dma_start3A_192 : memref<1x128xi32, #tpu.memory_space<vmem>> -> memref<128xi32, #tpu.memory_space<vmem>>
    %dma_start3A_194 = arith.constant 0 : i32
    %dma_start3A_195 = arith.constant 0 : i32
    %dma_start3A_196 = tpu.memref_slice %arg3[%dma_start3A_194, %dma_start3A_195] : memref<1000000x128xf32, #tpu.memory_space<hbm>> -> memref<1000000x128xf32, #tpu.memory_space<hbm>>
    %dma_start3A_197 = tpu.memref_slice %arg9[%dma_start3A_186] : memref<4x!tpu.dma_semaphore, #tpu.memory_space<semaphore_mem>> -> memref<1x!tpu.dma_semaphore, #tpu.memory_space<semaphore_mem>>
    %dma_start3A_198 = tpu.memref_squeeze %dma_start3A_197 : memref<1x!tpu.dma_semaphore, #tpu.memory_space<semaphore_mem>> -> memref<!tpu.dma_semaphore, #tpu.memory_space<semaphore_mem>>
    tpu.enqueue_indirect_dma source(%dma_start3A_196 : memref<1000000x128xf32, #tpu.memory_space<hbm>>) target(%dma_start3A_190 : memref<128x128xf32, #tpu.memory_space<vmem>>) offsets(%dma_start3A_193 : memref<128xi32, #tpu.memory_space<vmem>>) semaphore(%dma_start3A_198 : memref<!tpu.dma_semaphore, #tpu.memory_space<semaphore_mem>>)
    %dma_start3A_199 = arith.constant 2 : i32
    %dma_start3A_200 = arith.constant 2 : i32
    %dma_start3A_201 = arith.constant 2 : i32
    %dma_start3A_202 = arith.constant 128 : i32
    %dma_start3A_203 = arith.constant 0 : i32
    %dma_start3A_204 = tpu.memref_slice %arg6[%dma_start3A_200, %dma_start3A_202, %dma_start3A_203] : memref<4x200x128xf32, #tpu.memory_space<vmem>> -> memref<1x72x128xf32, #tpu.memory_space<vmem>>
    %dma_start3A_205 = tpu.memref_squeeze %dma_start3A_204 : memref<1x72x128xf32, #tpu.memory_space<vmem>> -> memref<72x128xf32, #tpu.memory_space<vmem>>
    %dma_start3A_206 = arith.constant 128 : i32
    %dma_start3A_207 = tpu.memref_slice %arg5[%dma_start3A_199, %dma_start3A_206] : memref<4x200xi32, #tpu.memory_space<vmem>> -> memref<1x72xi32, #tpu.memory_space<vmem>>
    %dma_start3A_208 = tpu.memref_squeeze %dma_start3A_207 : memref<1x72xi32, #tpu.memory_space<vmem>> -> memref<72xi32, #tpu.memory_space<vmem>>
    %dma_start3A_209 = arith.constant 0 : i32
    %dma_start3A_210 = arith.constant 0 : i32
    %dma_start3A_211 = tpu.memref_slice %arg3[%dma_start3A_209, %dma_start3A_210] : memref<1000000x128xf32, #tpu.memory_space<hbm>> -> memref<1000000x128xf32, #tpu.memory_space<hbm>>
    %dma_start3A_212 = tpu.memref_slice %arg9[%dma_start3A_201] : memref<4x!tpu.dma_semaphore, #tpu.memory_space<semaphore_mem>> -> memref<1x!tpu.dma_semaphore, #tpu.memory_space<semaphore_mem>>
    %dma_start3A_213 = tpu.memref_squeeze %dma_start3A_212 : memref<1x!tpu.dma_semaphore, #tpu.memory_space<semaphore_mem>> -> memref<!tpu.dma_semaphore, #tpu.memory_space<semaphore_mem>>
    tpu.enqueue_indirect_dma source(%dma_start3A_211 : memref<1000000x128xf32, #tpu.memory_space<hbm>>) target(%dma_start3A_205 : memref<72x128xf32, #tpu.memory_space<vmem>>) offsets(%dma_start3A_208 : memref<72xi32, #tpu.memory_space<vmem>>) semaphore(%dma_start3A_213 : memref<!tpu.dma_semaphore, #tpu.memory_space<semaphore_mem>>)
    %scan3A = arith.constant 0 : i32
    %scan3A_214 = arith.constant 0 : i32
    %scan3A_215 = arith.constant 128 : i32
    %scan3A_216 = arith.addi %scan3A_214, %scan3A_215 : i32
    %scan3A_217 = arith.constant 1 : i32
    scf.for %scan3A_253 = %scan3A_214 to %scan3A_216 step %scan3A_217  : i32 {
      %rem3A = arith.constant 4 : i32
      %rem3A_254 = arith.remsi %scan3A_253, %rem3A : i32
      %rem3A_255 = arith.constant 2 : i32
      %rem3A_256 = arith.remsi %scan3A_253, %rem3A_255 : i32
      %add3A_257 = arith.constant 4 : i32
      %add3A_258 = arith.addi %scan3A_253, %add3A_257 : i32
      %sub3A = arith.constant 1 : i32
      %sub3A_259 = arith.subi %add3A_258, %sub3A : i32
      %lt3A = arith.constant 128 : i32
      %lt3A_260 = arith.cmpi slt, %sub3A_259, %lt3A : i32
      %convert_element_type3A = arith.extui %lt3A_260 : i1 to i32
      %cond3A = arith.constant 0 : i32
      %cond3A_261 = arith.cmpi ne, %convert_element_type3A, %cond3A : i32
      scf.if %cond3A_261 {
        %add3A_380 = arith.constant 4 : i32
        %add3A_381 = arith.addi %scan3A_253, %add3A_380 : i32
        %sub3A_382 = arith.constant 1 : i32
        %sub3A_383 = arith.subi %add3A_381, %sub3A_382 : i32
        %rem3A_384 = arith.constant 4 : i32
        %rem3A_385 = arith.remsi %sub3A_383, %rem3A_384 : i32
        %dma_wait3A_386 = arith.constant 0 : i32
        %dma_wait3A_387 = arith.constant 0 : i32
        %dma_wait3A_388 = tpu.memref_slice %arg5[%rem3A_385, %dma_wait3A_387] : memref<4x200xi32, #tpu.memory_space<vmem>> -> memref<1x200xi32, #tpu.memory_space<vmem>>
        %dma_wait3A_389 = tpu.memref_squeeze %dma_wait3A_388 : memref<1x200xi32, #tpu.memory_space<vmem>> -> memref<200xi32, #tpu.memory_space<vmem>>
        %dma_wait3A_390 = arith.constant 0 : i32
        %dma_wait3A_391 = tpu.memref_slice %arg2[%dma_wait3A_386, %dma_wait3A_390] : memref<4096x200xi32, #tpu.memory_space<hbm>> -> memref<1x200xi32, #tpu.memory_space<hbm>>
        %dma_wait3A_392 = tpu.memref_squeeze %dma_wait3A_391 : memref<1x200xi32, #tpu.memory_space<hbm>> -> memref<200xi32, #tpu.memory_space<hbm>>
        %dma_wait3A_393 = tpu.memref_slice %arg8[%rem3A_385] : memref<4x!tpu.dma_semaphore, #tpu.memory_space<semaphore_mem>> -> memref<1x!tpu.dma_semaphore, #tpu.memory_space<semaphore_mem>>
        %dma_wait3A_394 = tpu.memref_squeeze %dma_wait3A_393 : memref<1x!tpu.dma_semaphore, #tpu.memory_space<semaphore_mem>> -> memref<!tpu.dma_semaphore, #tpu.memory_space<semaphore_mem>>
        %dma_wait3A_395 = arith.constant 0 : i32
        %dma_wait3A_396 = tpu.memref_slice %arg5[%rem3A_385, %dma_wait3A_395] : memref<4x200xi32, #tpu.memory_space<vmem>> -> memref<1x200xi32, #tpu.memory_space<vmem>>
        %dma_wait3A_397 = tpu.memref_squeeze %dma_wait3A_396 : memref<1x200xi32, #tpu.memory_space<vmem>> -> memref<200xi32, #tpu.memory_space<vmem>>
        %dma_wait3A_398 = arith.constant 0 : i32
        %dma_wait3A_399 = tpu.memref_slice %arg2[%dma_wait3A_386, %dma_wait3A_398] : memref<4096x200xi32, #tpu.memory_space<hbm>> -> memref<1x200xi32, #tpu.memory_space<hbm>>
        %dma_wait3A_400 = tpu.memref_squeeze %dma_wait3A_399 : memref<1x200xi32, #tpu.memory_space<hbm>> -> memref<200xi32, #tpu.memory_space<hbm>>
        tpu.wait_dma2 semaphore(%dma_wait3A_394 : memref<!tpu.dma_semaphore, #tpu.memory_space<semaphore_mem>>) src(%dma_wait3A_400 : memref<200xi32, #tpu.memory_space<hbm>>) dst(%dma_wait3A_397 : memref<200xi32, #tpu.memory_space<vmem>>)
        %dma_start3A_401 = arith.constant 0 : i32
        %dma_start3A_402 = arith.constant 0 : i32
        %dma_start3A_403 = tpu.memref_slice %arg6[%rem3A_385, %dma_start3A_401, %dma_start3A_402] : memref<4x200x128xf32, #tpu.memory_space<vmem>> -> memref<1x128x128xf32, #tpu.memory_space<vmem>>
        %dma_start3A_404 = tpu.memref_squeeze %dma_start3A_403 : memref<1x128x128xf32, #tpu.memory_space<vmem>> -> memref<128x128xf32, #tpu.memory_space<vmem>>
        %dma_start3A_405 = arith.constant 0 : i32
        %dma_start3A_406 = tpu.memref_slice %arg5[%rem3A_385, %dma_start3A_405] : memref<4x200xi32, #tpu.memory_space<vmem>> -> memref<1x128xi32, #tpu.memory_space<vmem>>
        %dma_start3A_407 = tpu.memref_squeeze %dma_start3A_406 : memref<1x128xi32, #tpu.memory_space<vmem>> -> memref<128xi32, #tpu.memory_space<vmem>>
        %dma_start3A_408 = arith.constant 0 : i32
        %dma_start3A_409 = arith.constant 0 : i32
        %dma_start3A_410 = tpu.memref_slice %arg3[%dma_start3A_408, %dma_start3A_409] : memref<1000000x128xf32, #tpu.memory_space<hbm>> -> memref<1000000x128xf32, #tpu.memory_space<hbm>>
        %dma_start3A_411 = tpu.memref_slice %arg9[%rem3A_385] : memref<4x!tpu.dma_semaphore, #tpu.memory_space<semaphore_mem>> -> memref<1x!tpu.dma_semaphore, #tpu.memory_space<semaphore_mem>>
        %dma_start3A_412 = tpu.memref_squeeze %dma_start3A_411 : memref<1x!tpu.dma_semaphore, #tpu.memory_space<semaphore_mem>> -> memref<!tpu.dma_semaphore, #tpu.memory_space<semaphore_mem>>
        tpu.enqueue_indirect_dma source(%dma_start3A_410 : memref<1000000x128xf32, #tpu.memory_space<hbm>>) target(%dma_start3A_404 : memref<128x128xf32, #tpu.memory_space<vmem>>) offsets(%dma_start3A_407 : memref<128xi32, #tpu.memory_space<vmem>>) semaphore(%dma_start3A_412 : memref<!tpu.dma_semaphore, #tpu.memory_space<semaphore_mem>>)
        %dma_start3A_413 = arith.constant 128 : i32
        %dma_start3A_414 = arith.constant 0 : i32
        %dma_start3A_415 = tpu.memref_slice %arg6[%rem3A_385, %dma_start3A_413, %dma_start3A_414] : memref<4x200x128xf32, #tpu.memory_space<vmem>> -> memref<1x72x128xf32, #tpu.memory_space<vmem>>
        %dma_start3A_416 = tpu.memref_squeeze %dma_start3A_415 : memref<1x72x128xf32, #tpu.memory_space<vmem>> -> memref<72x128xf32, #tpu.memory_space<vmem>>
        %dma_start3A_417 = arith.constant 128 : i32
        %dma_start3A_418 = tpu.memref_slice %arg5[%rem3A_385, %dma_start3A_417] : memref<4x200xi32, #tpu.memory_space<vmem>> -> memref<1x72xi32, #tpu.memory_space<vmem>>
        %dma_start3A_419 = tpu.memref_squeeze %dma_start3A_418 : memref<1x72xi32, #tpu.memory_space<vmem>> -> memref<72xi32, #tpu.memory_space<vmem>>
        %dma_start3A_420 = arith.constant 0 : i32
        %dma_start3A_421 = arith.constant 0 : i32
        %dma_start3A_422 = tpu.memref_slice %arg3[%dma_start3A_420, %dma_start3A_421] : memref<1000000x128xf32, #tpu.memory_space<hbm>> -> memref<1000000x128xf32, #tpu.memory_space<hbm>>
        %dma_start3A_423 = tpu.memref_slice %arg9[%rem3A_385] : memref<4x!tpu.dma_semaphore, #tpu.memory_space<semaphore_mem>> -> memref<1x!tpu.dma_semaphore, #tpu.memory_space<semaphore_mem>>
        %dma_start3A_424 = tpu.memref_squeeze %dma_start3A_423 : memref<1x!tpu.dma_semaphore, #tpu.memory_space<semaphore_mem>> -> memref<!tpu.dma_semaphore, #tpu.memory_space<semaphore_mem>>
        tpu.enqueue_indirect_dma source(%dma_start3A_422 : memref<1000000x128xf32, #tpu.memory_space<hbm>>) target(%dma_start3A_416 : memref<72x128xf32, #tpu.memory_space<vmem>>) offsets(%dma_start3A_419 : memref<72xi32, #tpu.memory_space<vmem>>) semaphore(%dma_start3A_424 : memref<!tpu.dma_semaphore, #tpu.memory_space<semaphore_mem>>)
      } else {
      }
      %dma_wait3A_262 = arith.constant 0 : i32
      %dma_wait3A_263 = arith.constant 0 : i32
      %dma_wait3A_264 = tpu.memref_slice %arg6[%rem3A_254, %dma_wait3A_262, %dma_wait3A_263] : memref<4x200x128xf32, #tpu.memory_space<vmem>> -> memref<1x128x128xf32, #tpu.memory_space<vmem>>
      %dma_wait3A_265 = tpu.memref_squeeze %dma_wait3A_264 : memref<1x128x128xf32, #tpu.memory_space<vmem>> -> memref<128x128xf32, #tpu.memory_space<vmem>>
      %dma_wait3A_266 = arith.constant 0 : i32
      %dma_wait3A_267 = arith.constant 0 : i32
      %dma_wait3A_268 = tpu.memref_slice %arg3[%dma_wait3A_266, %dma_wait3A_267] : memref<1000000x128xf32, #tpu.memory_space<hbm>> -> memref<128x128xf32, #tpu.memory_space<hbm>>
      %dma_wait3A_269 = tpu.memref_slice %arg9[%rem3A_254] : memref<4x!tpu.dma_semaphore, #tpu.memory_space<semaphore_mem>> -> memref<1x!tpu.dma_semaphore, #tpu.memory_space<semaphore_mem>>
      %dma_wait3A_270 = tpu.memref_squeeze %dma_wait3A_269 : memref<1x!tpu.dma_semaphore, #tpu.memory_space<semaphore_mem>> -> memref<!tpu.dma_semaphore, #tpu.memory_space<semaphore_mem>>
      %dma_wait3A_271 = arith.constant 0 : i32
      %dma_wait3A_272 = arith.constant 0 : i32
      %dma_wait3A_273 = tpu.memref_slice %arg6[%rem3A_254, %dma_wait3A_271, %dma_wait3A_272] : memref<4x200x128xf32, #tpu.memory_space<vmem>> -> memref<1x128x128xf32, #tpu.memory_space<vmem>>
      %dma_wait3A_274 = tpu.memref_squeeze %dma_wait3A_273 : memref<1x128x128xf32, #tpu.memory_space<vmem>> -> memref<128x128xf32, #tpu.memory_space<vmem>>
      %dma_wait3A_275 = arith.constant 0 : i32
      %dma_wait3A_276 = arith.constant 0 : i32
      %dma_wait3A_277 = tpu.memref_slice %arg3[%dma_wait3A_275, %dma_wait3A_276] : memref<1000000x128xf32, #tpu.memory_space<hbm>> -> memref<128x128xf32, #tpu.memory_space<hbm>>
      tpu.wait_dma2 semaphore(%dma_wait3A_270 : memref<!tpu.dma_semaphore, #tpu.memory_space<semaphore_mem>>) src(%dma_wait3A_277 : memref<128x128xf32, #tpu.memory_space<hbm>>) dst(%dma_wait3A_274 : memref<128x128xf32, #tpu.memory_space<vmem>>)
      %dma_wait3A_278 = arith.constant 128 : i32
      %dma_wait3A_279 = arith.constant 0 : i32
      %dma_wait3A_280 = tpu.memref_slice %arg6[%rem3A_254, %dma_wait3A_278, %dma_wait3A_279] : memref<4x200x128xf32, #tpu.memory_space<vmem>> -> memref<1x72x128xf32, #tpu.memory_space<vmem>>
      %dma_wait3A_281 = tpu.memref_squeeze %dma_wait3A_280 : memref<1x72x128xf32, #tpu.memory_space<vmem>> -> memref<72x128xf32, #tpu.memory_space<vmem>>
      %dma_wait3A_282 = arith.constant 0 : i32
      %dma_wait3A_283 = arith.constant 0 : i32
      %dma_wait3A_284 = tpu.memref_slice %arg3[%dma_wait3A_282, %dma_wait3A_283] : memref<1000000x128xf32, #tpu.memory_space<hbm>> -> memref<72x128xf32, #tpu.memory_space<hbm>>
      %dma_wait3A_285 = tpu.memref_slice %arg9[%rem3A_254] : memref<4x!tpu.dma_semaphore, #tpu.memory_space<semaphore_mem>> -> memref<1x!tpu.dma_semaphore, #tpu.memory_space<semaphore_mem>>
      %dma_wait3A_286 = tpu.memref_squeeze %dma_wait3A_285 : memref<1x!tpu.dma_semaphore, #tpu.memory_space<semaphore_mem>> -> memref<!tpu.dma_semaphore, #tpu.memory_space<semaphore_mem>>
      %dma_wait3A_287 = arith.constant 128 : i32
      %dma_wait3A_288 = arith.constant 0 : i32
      %dma_wait3A_289 = tpu.memref_slice %arg6[%rem3A_254, %dma_wait3A_287, %dma_wait3A_288] : memref<4x200x128xf32, #tpu.memory_space<vmem>> -> memref<1x72x128xf32, #tpu.memory_space<vmem>>
      %dma_wait3A_290 = tpu.memref_squeeze %dma_wait3A_289 : memref<1x72x128xf32, #tpu.memory_space<vmem>> -> memref<72x128xf32, #tpu.memory_space<vmem>>
      %dma_wait3A_291 = arith.constant 0 : i32
      %dma_wait3A_292 = arith.constant 0 : i32
      %dma_wait3A_293 = tpu.memref_slice %arg3[%dma_wait3A_291, %dma_wait3A_292] : memref<1000000x128xf32, #tpu.memory_space<hbm>> -> memref<72x128xf32, #tpu.memory_space<hbm>>
      tpu.wait_dma2 semaphore(%dma_wait3A_286 : memref<!tpu.dma_semaphore, #tpu.memory_space<semaphore_mem>>) src(%dma_wait3A_293 : memref<72x128xf32, #tpu.memory_space<hbm>>) dst(%dma_wait3A_290 : memref<72x128xf32, #tpu.memory_space<vmem>>)
      %add3A_294 = arith.constant 4 : i32
      %add3A_295 = arith.addi %scan3A_253, %add3A_294 : i32
      %lt3A_296 = arith.constant 128 : i32
      %lt3A_297 = arith.cmpi slt, %add3A_295, %lt3A_296 : i32
      %convert_element_type3A_298 = arith.extui %lt3A_297 : i1 to i32
      %cond3A_299 = arith.constant 0 : i32
      %cond3A_300 = arith.cmpi ne, %convert_element_type3A_298, %cond3A_299 : i32
      scf.if %cond3A_300 {
        %add3A_380 = arith.constant 4 : i32
        %add3A_381 = arith.addi %scan3A_253, %add3A_380 : i32
        %add3A_382 = arith.addi %mul3A_2, %add3A_381 : i32
        %dma_start3A_383 = arith.constant 0 : i32
        %dma_start3A_384 = tpu.memref_slice %arg5[%rem3A_254, %dma_start3A_383] : memref<4x200xi32, #tpu.memory_space<vmem>> -> memref<1x200xi32, #tpu.memory_space<vmem>>
        %dma_start3A_385 = tpu.memref_squeeze %dma_start3A_384 : memref<1x200xi32, #tpu.memory_space<vmem>> -> memref<200xi32, #tpu.memory_space<vmem>>
        %dma_start3A_386 = arith.constant 0 : i32
        %dma_start3A_387 = tpu.memref_slice %arg2[%add3A_382, %dma_start3A_386] : memref<4096x200xi32, #tpu.memory_space<hbm>> -> memref<1x200xi32, #tpu.memory_space<hbm>>
        %dma_start3A_388 = tpu.memref_squeeze %dma_start3A_387 : memref<1x200xi32, #tpu.memory_space<hbm>> -> memref<200xi32, #tpu.memory_space<hbm>>
        %dma_start3A_389 = tpu.memref_slice %arg8[%rem3A_254] : memref<4x!tpu.dma_semaphore, #tpu.memory_space<semaphore_mem>> -> memref<1x!tpu.dma_semaphore, #tpu.memory_space<semaphore_mem>>
        %dma_start3A_390 = tpu.memref_squeeze %dma_start3A_389 : memref<1x!tpu.dma_semaphore, #tpu.memory_space<semaphore_mem>> -> memref<!tpu.dma_semaphore, #tpu.memory_space<semaphore_mem>>
        %dma_start3A_391 = arith.constant 0 : i32
        %dma_start3A_392 = tpu.memref_slice %arg5[%rem3A_254, %dma_start3A_391] : memref<4x200xi32, #tpu.memory_space<vmem>> -> memref<1x200xi32, #tpu.memory_space<vmem>>
        %dma_start3A_393 = tpu.memref_squeeze %dma_start3A_392 : memref<1x200xi32, #tpu.memory_space<vmem>> -> memref<200xi32, #tpu.memory_space<vmem>>
        %dma_start3A_394 = arith.constant 0 : i32
        %dma_start3A_395 = tpu.memref_slice %arg2[%add3A_382, %dma_start3A_394] : memref<4096x200xi32, #tpu.memory_space<hbm>> -> memref<1x200xi32, #tpu.memory_space<hbm>>
        %dma_start3A_396 = tpu.memref_squeeze %dma_start3A_395 : memref<1x200xi32, #tpu.memory_space<hbm>> -> memref<200xi32, #tpu.memory_space<hbm>>
        tpu.enqueue_dma source(%dma_start3A_396 : memref<200xi32, #tpu.memory_space<hbm>>) target(%dma_start3A_393 : memref<200xi32, #tpu.memory_space<vmem>>) target_semaphore(%dma_start3A_390 : memref<!tpu.dma_semaphore, #tpu.memory_space<semaphore_mem>>)
      } else {
      }
      %broadcast_in_dim3A = arith.constant 0.000000e+00 : f32
      %broadcast_in_dim3A_301 = vector.broadcast %broadcast_in_dim3A : f32 to vector<16xf32>
      %broadcast_in_dim3A_302 = arith.constant 0.000000e+00 : f32
      %broadcast_in_dim3A_303 = vector.broadcast %broadcast_in_dim3A_302 : f32 to vector<16xf32>
      %broadcast_in_dim3A_304 = arith.constant 0.000000e+00 : f32
      %broadcast_in_dim3A_305 = vector.broadcast %broadcast_in_dim3A_304 : f32 to vector<16xf32>
      %broadcast_in_dim3A_306 = arith.constant 0.000000e+00 : f32
      %broadcast_in_dim3A_307 = vector.broadcast %broadcast_in_dim3A_306 : f32 to vector<16xf32>
      %broadcast_in_dim3A_308 = arith.constant 0.000000e+00 : f32
      %broadcast_in_dim3A_309 = vector.broadcast %broadcast_in_dim3A_308 : f32 to vector<16xf32>
      %broadcast_in_dim3A_310 = arith.constant 0.000000e+00 : f32
      %broadcast_in_dim3A_311 = vector.broadcast %broadcast_in_dim3A_310 : f32 to vector<16xf32>
      %broadcast_in_dim3A_312 = arith.constant 0.000000e+00 : f32
      %broadcast_in_dim3A_313 = vector.broadcast %broadcast_in_dim3A_312 : f32 to vector<16xf32>
      %broadcast_in_dim3A_314 = arith.constant 0.000000e+00 : f32
      %broadcast_in_dim3A_315 = vector.broadcast %broadcast_in_dim3A_314 : f32 to vector<16xf32>
      %scan3A_316 = arith.constant 0 : i32
      %scan3A_317 = arith.constant 25 : i32
      %scan3A_318 = arith.addi %scan3A_316, %scan3A_317 : i32
      %scan3A_319 = arith.constant 1 : i32
      %scan3A_320:8 = scf.for %scan3A_380 = %scan3A_316 to %scan3A_318 step %scan3A_319 iter_args(%scan3A_381 = %broadcast_in_dim3A_301, %scan3A_382 = %broadcast_in_dim3A_303, %scan3A_383 = %broadcast_in_dim3A_305, %scan3A_384 = %broadcast_in_dim3A_307, %scan3A_385 = %broadcast_in_dim3A_309, %scan3A_386 = %broadcast_in_dim3A_311, %scan3A_387 = %broadcast_in_dim3A_313, %scan3A_388 = %broadcast_in_dim3A_315) -> (vector<16xf32>, vector<16xf32>, vector<16xf32>, vector<16xf32>, vector<16xf32>, vector<16xf32>, vector<16xf32>, vector<16xf32>)  : i32 {
        %mul3A_389 = arith.constant 8 : i32
        %mul3A_390 = arith.muli %scan3A_380, %mul3A_389 : i32
        %add3A_391 = arith.constant 0 : i32
        %add3A_392 = arith.addi %mul3A_390, %add3A_391 : i32
        %get3A = arith.index_cast %rem3A_254 : i32 to index
        %get3A_393 = arith.index_cast %add3A_392 : i32 to index
        %get3A_394 = arith.constant 0 : index
        %get3A_395 = tpu.vector_load %arg6[%get3A, %get3A_393, %get3A_394] {strides = array<i32>} : memref<4x200x128xf32, #tpu.memory_space<vmem>>, vector<1x1x16xf32>,
        %get3A_396 = vector.shape_cast %get3A_395 : vector<1x1x16xf32> to vector<16xf32>
        %add3A_397 = arith.constant 1 : i32
        %add3A_398 = arith.addi %mul3A_390, %add3A_397 : i32
        %get3A_399 = arith.index_cast %rem3A_254 : i32 to index
        %get3A_400 = arith.index_cast %add3A_398 : i32 to index
        %get3A_401 = arith.constant 0 : index
        %get3A_402 = tpu.vector_load %arg6[%get3A_399, %get3A_400, %get3A_401] {strides = array<i32>} : memref<4x200x128xf32, #tpu.memory_space<vmem>>, vector<1x1x16xf32>,
        %get3A_403 = vector.shape_cast %get3A_402 : vector<1x1x16xf32> to vector<16xf32>
        %add3A_404 = arith.constant 2 : i32
        %add3A_405 = arith.addi %mul3A_390, %add3A_404 : i32
        %get3A_406 = arith.index_cast %rem3A_254 : i32 to index
        %get3A_407 = arith.index_cast %add3A_405 : i32 to index
        %get3A_408 = arith.constant 0 : index
        %get3A_409 = tpu.vector_load %arg6[%get3A_406, %get3A_407, %get3A_408] {strides = array<i32>} : memref<4x200x128xf32, #tpu.memory_space<vmem>>, vector<1x1x16xf32>,
        %get3A_410 = vector.shape_cast %get3A_409 : vector<1x1x16xf32> to vector<16xf32>
        %add3A_411 = arith.constant 3 : i32
        %add3A_412 = arith.addi %mul3A_390, %add3A_411 : i32
        %get3A_413 = arith.index_cast %rem3A_254 : i32 to index
        %get3A_414 = arith.index_cast %add3A_412 : i32 to index
        %get3A_415 = arith.constant 0 : index
        %get3A_416 = tpu.vector_load %arg6[%get3A_413, %get3A_414, %get3A_415] {strides = array<i32>} : memref<4x200x128xf32, #tpu.memory_space<vmem>>, vector<1x1x16xf32>,
        %get3A_417 = vector.shape_cast %get3A_416 : vector<1x1x16xf32> to vector<16xf32>
        %add3A_418 = arith.constant 4 : i32
        %add3A_419 = arith.addi %mul3A_390, %add3A_418 : i32
        %get3A_420 = arith.index_cast %rem3A_254 : i32 to index
        %get3A_421 = arith.index_cast %add3A_419 : i32 to index
        %get3A_422 = arith.constant 0 : index
        %get3A_423 = tpu.vector_load %arg6[%get3A_420, %get3A_421, %get3A_422] {strides = array<i32>} : memref<4x200x128xf32, #tpu.memory_space<vmem>>, vector<1x1x16xf32>,
        %get3A_424 = vector.shape_cast %get3A_423 : vector<1x1x16xf32> to vector<16xf32>
        %add3A_425 = arith.constant 5 : i32
        %add3A_426 = arith.addi %mul3A_390, %add3A_425 : i32
        %get3A_427 = arith.index_cast %rem3A_254 : i32 to index
        %get3A_428 = arith.index_cast %add3A_426 : i32 to index
        %get3A_429 = arith.constant 0 : index
        %get3A_430 = tpu.vector_load %arg6[%get3A_427, %get3A_428, %get3A_429] {strides = array<i32>} : memref<4x200x128xf32, #tpu.memory_space<vmem>>, vector<1x1x16xf32>,
        %get3A_431 = vector.shape_cast %get3A_430 : vector<1x1x16xf32> to vector<16xf32>
        %add3A_432 = arith.constant 6 : i32
        %add3A_433 = arith.addi %mul3A_390, %add3A_432 : i32
        %get3A_434 = arith.index_cast %rem3A_254 : i32 to index
        %get3A_435 = arith.index_cast %add3A_433 : i32 to index
        %get3A_436 = arith.constant 0 : index
        %get3A_437 = tpu.vector_load %arg6[%get3A_434, %get3A_435, %get3A_436] {strides = array<i32>} : memref<4x200x128xf32, #tpu.memory_space<vmem>>, vector<1x1x16xf32>,
        %get3A_438 = vector.shape_cast %get3A_437 : vector<1x1x16xf32> to vector<16xf32>
        %add3A_439 = arith.constant 7 : i32
        %add3A_440 = arith.addi %mul3A_390, %add3A_439 : i32
        %get3A_441 = arith.index_cast %rem3A_254 : i32 to index
        %get3A_442 = arith.index_cast %add3A_440 : i32 to index
        %get3A_443 = arith.constant 0 : index
        %get3A_444 = tpu.vector_load %arg6[%get3A_441, %get3A_442, %get3A_443] {strides = array<i32>} : memref<4x200x128xf32, #tpu.memory_space<vmem>>, vector<1x1x16xf32>,
        %get3A_445 = vector.shape_cast %get3A_444 : vector<1x1x16xf32> to vector<16xf32>
        %add3A_446 = arith.addf %get3A_396, %get3A_403 : vector<16xf32>
        %add3A_447 = arith.addf %get3A_410, %get3A_417 : vector<16xf32>
        %add3A_448 = arith.addf %get3A_424, %get3A_431 : vector<16xf32>
        %add3A_449 = arith.addf %get3A_438, %get3A_445 : vector<16xf32>
        %add3A_450 = arith.addf %add3A_446, %add3A_447 : vector<16xf32>
        %add3A_451 = arith.addf %add3A_448, %add3A_449 : vector<16xf32>
        %add3A_452 = arith.addf %add3A_450, %add3A_451 : vector<16xf32>
        %add3A_453 = arith.addf %scan3A_381, %add3A_452 : vector<16xf32>
        %add3A_454 = arith.constant 0 : i32
        %add3A_455 = arith.addi %mul3A_390, %add3A_454 : i32
        %get3A_456 = arith.index_cast %rem3A_254 : i32 to index
        %get3A_457 = arith.index_cast %add3A_455 : i32 to index
        %get3A_458 = arith.constant 16 : index
        %get3A_459 = tpu.vector_load %arg6[%get3A_456, %get3A_457, %get3A_458] {strides = array<i32>} : memref<4x200x128xf32, #tpu.memory_space<vmem>>, vector<1x1x16xf32>,
        %get3A_460 = vector.shape_cast %get3A_459 : vector<1x1x16xf32> to vector<16xf32>
        %add3A_461 = arith.constant 1 : i32
        %add3A_462 = arith.addi %mul3A_390, %add3A_461 : i32
        %get3A_463 = arith.index_cast %rem3A_254 : i32 to index
        %get3A_464 = arith.index_cast %add3A_462 : i32 to index
        %get3A_465 = arith.constant 16 : index
        %get3A_466 = tpu.vector_load %arg6[%get3A_463, %get3A_464, %get3A_465] {strides = array<i32>} : memref<4x200x128xf32, #tpu.memory_space<vmem>>, vector<1x1x16xf32>,
        %get3A_467 = vector.shape_cast %get3A_466 : vector<1x1x16xf32> to vector<16xf32>
        %add3A_468 = arith.constant 2 : i32
        %add3A_469 = arith.addi %mul3A_390, %add3A_468 : i32
        %get3A_470 = arith.index_cast %rem3A_254 : i32 to index
        %get3A_471 = arith.index_cast %add3A_469 : i32 to index
        %get3A_472 = arith.constant 16 : index
        %get3A_473 = tpu.vector_load %arg6[%get3A_470, %get3A_471, %get3A_472] {strides = array<i32>} : memref<4x200x128xf32, #tpu.memory_space<vmem>>, vector<1x1x16xf32>,
        %get3A_474 = vector.shape_cast %get3A_473 : vector<1x1x16xf32> to vector<16xf32>
        %add3A_475 = arith.constant 3 : i32
        %add3A_476 = arith.addi %mul3A_390, %add3A_475 : i32
        %get3A_477 = arith.index_cast %rem3A_254 : i32 to index
        %get3A_478 = arith.index_cast %add3A_476 : i32 to index
        %get3A_479 = arith.constant 16 : index
        %get3A_480 = tpu.vector_load %arg6[%get3A_477, %get3A_478, %get3A_479] {strides = array<i32>} : memref<4x200x128xf32, #tpu.memory_space<vmem>>, vector<1x1x16xf32>,
        %get3A_481 = vector.shape_cast %get3A_480 : vector<1x1x16xf32> to vector<16xf32>
        %add3A_482 = arith.constant 4 : i32
        %add3A_483 = arith.addi %mul3A_390, %add3A_482 : i32
        %get3A_484 = arith.index_cast %rem3A_254 : i32 to index
        %get3A_485 = arith.index_cast %add3A_483 : i32 to index
        %get3A_486 = arith.constant 16 : index
        %get3A_487 = tpu.vector_load %arg6[%get3A_484, %get3A_485, %get3A_486] {strides = array<i32>} : memref<4x200x128xf32, #tpu.memory_space<vmem>>, vector<1x1x16xf32>,
        %get3A_488 = vector.shape_cast %get3A_487 : vector<1x1x16xf32> to vector<16xf32>
        %add3A_489 = arith.constant 5 : i32
        %add3A_490 = arith.addi %mul3A_390, %add3A_489 : i32
        %get3A_491 = arith.index_cast %rem3A_254 : i32 to index
        %get3A_492 = arith.index_cast %add3A_490 : i32 to index
        %get3A_493 = arith.constant 16 : index
        %get3A_494 = tpu.vector_load %arg6[%get3A_491, %get3A_492, %get3A_493] {strides = array<i32>} : memref<4x200x128xf32, #tpu.memory_space<vmem>>, vector<1x1x16xf32>,
        %get3A_495 = vector.shape_cast %get3A_494 : vector<1x1x16xf32> to vector<16xf32>
        %add3A_496 = arith.constant 6 : i32
        %add3A_497 = arith.addi %mul3A_390, %add3A_496 : i32
        %get3A_498 = arith.index_cast %rem3A_254 : i32 to index
        %get3A_499 = arith.index_cast %add3A_497 : i32 to index
        %get3A_500 = arith.constant 16 : index
        %get3A_501 = tpu.vector_load %arg6[%get3A_498, %get3A_499, %get3A_500] {strides = array<i32>} : memref<4x200x128xf32, #tpu.memory_space<vmem>>, vector<1x1x16xf32>,
        %get3A_502 = vector.shape_cast %get3A_501 : vector<1x1x16xf32> to vector<16xf32>
        %add3A_503 = arith.constant 7 : i32
        %add3A_504 = arith.addi %mul3A_390, %add3A_503 : i32
        %get3A_505 = arith.index_cast %rem3A_254 : i32 to index
        %get3A_506 = arith.index_cast %add3A_504 : i32 to index
        %get3A_507 = arith.constant 16 : index
        %get3A_508 = tpu.vector_load %arg6[%get3A_505, %get3A_506, %get3A_507] {strides = array<i32>} : memref<4x200x128xf32, #tpu.memory_space<vmem>>, vector<1x1x16xf32>,
        %get3A_509 = vector.shape_cast %get3A_508 : vector<1x1x16xf32> to vector<16xf32>
        %add3A_510 = arith.addf %get3A_460, %get3A_467 : vector<16xf32>
        %add3A_511 = arith.addf %get3A_474, %get3A_481 : vector<16xf32>
        %add3A_512 = arith.addf %get3A_488, %get3A_495 : vector<16xf32>
        %add3A_513 = arith.addf %get3A_502, %get3A_509 : vector<16xf32>
        %add3A_514 = arith.addf %add3A_510, %add3A_511 : vector<16xf32>
        %add3A_515 = arith.addf %add3A_512, %add3A_513 : vector<16xf32>
        %add3A_516 = arith.addf %add3A_514, %add3A_515 : vector<16xf32>
        %add3A_517 = arith.addf %scan3A_382, %add3A_516 : vector<16xf32>
        %add3A_518 = arith.constant 0 : i32
        %add3A_519 = arith.addi %mul3A_390, %add3A_518 : i32
        %get3A_520 = arith.index_cast %rem3A_254 : i32 to index
        %get3A_521 = arith.index_cast %add3A_519 : i32 to index
        %get3A_522 = arith.constant 32 : index
        %get3A_523 = tpu.vector_load %arg6[%get3A_520, %get3A_521, %get3A_522] {strides = array<i32>} : memref<4x200x128xf32, #tpu.memory_space<vmem>>, vector<1x1x16xf32>,
        %get3A_524 = vector.shape_cast %get3A_523 : vector<1x1x16xf32> to vector<16xf32>
        %add3A_525 = arith.constant 1 : i32
        %add3A_526 = arith.addi %mul3A_390, %add3A_525 : i32
        %get3A_527 = arith.index_cast %rem3A_254 : i32 to index
        %get3A_528 = arith.index_cast %add3A_526 : i32 to index
        %get3A_529 = arith.constant 32 : index
        %get3A_530 = tpu.vector_load %arg6[%get3A_527, %get3A_528, %get3A_529] {strides = array<i32>} : memref<4x200x128xf32, #tpu.memory_space<vmem>>, vector<1x1x16xf32>,
        %get3A_531 = vector.shape_cast %get3A_530 : vector<1x1x16xf32> to vector<16xf32>
        %add3A_532 = arith.constant 2 : i32
        %add3A_533 = arith.addi %mul3A_390, %add3A_532 : i32
        %get3A_534 = arith.index_cast %rem3A_254 : i32 to index
        %get3A_535 = arith.index_cast %add3A_533 : i32 to index
        %get3A_536 = arith.constant 32 : index
        %get3A_537 = tpu.vector_load %arg6[%get3A_534, %get3A_535, %get3A_536] {strides = array<i32>} : memref<4x200x128xf32, #tpu.memory_space<vmem>>, vector<1x1x16xf32>,
        %get3A_538 = vector.shape_cast %get3A_537 : vector<1x1x16xf32> to vector<16xf32>
        %add3A_539 = arith.constant 3 : i32
        %add3A_540 = arith.addi %mul3A_390, %add3A_539 : i32
        %get3A_541 = arith.index_cast %rem3A_254 : i32 to index
        %get3A_542 = arith.index_cast %add3A_540 : i32 to index
        %get3A_543 = arith.constant 32 : index
        %get3A_544 = tpu.vector_load %arg6[%get3A_541, %get3A_542, %get3A_543] {strides = array<i32>} : memref<4x200x128xf32, #tpu.memory_space<vmem>>, vector<1x1x16xf32>,
        %get3A_545 = vector.shape_cast %get3A_544 : vector<1x1x16xf32> to vector<16xf32>
        %add3A_546 = arith.constant 4 : i32
        %add3A_547 = arith.addi %mul3A_390, %add3A_546 : i32
        %get3A_548 = arith.index_cast %rem3A_254 : i32 to index
        %get3A_549 = arith.index_cast %add3A_547 : i32 to index
        %get3A_550 = arith.constant 32 : index
        %get3A_551 = tpu.vector_load %arg6[%get3A_548, %get3A_549, %get3A_550] {strides = array<i32>} : memref<4x200x128xf32, #tpu.memory_space<vmem>>, vector<1x1x16xf32>,
        %get3A_552 = vector.shape_cast %get3A_551 : vector<1x1x16xf32> to vector<16xf32>
        %add3A_553 = arith.constant 5 : i32
        %add3A_554 = arith.addi %mul3A_390, %add3A_553 : i32
        %get3A_555 = arith.index_cast %rem3A_254 : i32 to index
        %get3A_556 = arith.index_cast %add3A_554 : i32 to index
        %get3A_557 = arith.constant 32 : index
        %get3A_558 = tpu.vector_load %arg6[%get3A_555, %get3A_556, %get3A_557] {strides = array<i32>} : memref<4x200x128xf32, #tpu.memory_space<vmem>>, vector<1x1x16xf32>,
        %get3A_559 = vector.shape_cast %get3A_558 : vector<1x1x16xf32> to vector<16xf32>
        %add3A_560 = arith.constant 6 : i32
        %add3A_561 = arith.addi %mul3A_390, %add3A_560 : i32
        %get3A_562 = arith.index_cast %rem3A_254 : i32 to index
        %get3A_563 = arith.index_cast %add3A_561 : i32 to index
        %get3A_564 = arith.constant 32 : index
        %get3A_565 = tpu.vector_load %arg6[%get3A_562, %get3A_563, %get3A_564] {strides = array<i32>} : memref<4x200x128xf32, #tpu.memory_space<vmem>>, vector<1x1x16xf32>,
        %get3A_566 = vector.shape_cast %get3A_565 : vector<1x1x16xf32> to vector<16xf32>
        %add3A_567 = arith.constant 7 : i32
        %add3A_568 = arith.addi %mul3A_390, %add3A_567 : i32
        %get3A_569 = arith.index_cast %rem3A_254 : i32 to index
        %get3A_570 = arith.index_cast %add3A_568 : i32 to index
        %get3A_571 = arith.constant 32 : index
        %get3A_572 = tpu.vector_load %arg6[%get3A_569, %get3A_570, %get3A_571] {strides = array<i32>} : memref<4x200x128xf32, #tpu.memory_space<vmem>>, vector<1x1x16xf32>,
        %get3A_573 = vector.shape_cast %get3A_572 : vector<1x1x16xf32> to vector<16xf32>
        %add3A_574 = arith.addf %get3A_524, %get3A_531 : vector<16xf32>
        %add3A_575 = arith.addf %get3A_538, %get3A_545 : vector<16xf32>
        %add3A_576 = arith.addf %get3A_552, %get3A_559 : vector<16xf32>
        %add3A_577 = arith.addf %get3A_566, %get3A_573 : vector<16xf32>
        %add3A_578 = arith.addf %add3A_574, %add3A_575 : vector<16xf32>
        %add3A_579 = arith.addf %add3A_576, %add3A_577 : vector<16xf32>
        %add3A_580 = arith.addf %add3A_578, %add3A_579 : vector<16xf32>
        %add3A_581 = arith.addf %scan3A_383, %add3A_580 : vector<16xf32>
        %add3A_582 = arith.constant 0 : i32
        %add3A_583 = arith.addi %mul3A_390, %add3A_582 : i32
        %get3A_584 = arith.index_cast %rem3A_254 : i32 to index
        %get3A_585 = arith.index_cast %add3A_583 : i32 to index
        %get3A_586 = arith.constant 48 : index
        %get3A_587 = tpu.vector_load %arg6[%get3A_584, %get3A_585, %get3A_586] {strides = array<i32>} : memref<4x200x128xf32, #tpu.memory_space<vmem>>, vector<1x1x16xf32>,
        %get3A_588 = vector.shape_cast %get3A_587 : vector<1x1x16xf32> to vector<16xf32>
        %add3A_589 = arith.constant 1 : i32
        %add3A_590 = arith.addi %mul3A_390, %add3A_589 : i32
        %get3A_591 = arith.index_cast %rem3A_254 : i32 to index
        %get3A_592 = arith.index_cast %add3A_590 : i32 to index
        %get3A_593 = arith.constant 48 : index
        %get3A_594 = tpu.vector_load %arg6[%get3A_591, %get3A_592, %get3A_593] {strides = array<i32>} : memref<4x200x128xf32, #tpu.memory_space<vmem>>, vector<1x1x16xf32>,
        %get3A_595 = vector.shape_cast %get3A_594 : vector<1x1x16xf32> to vector<16xf32>
        %add3A_596 = arith.constant 2 : i32
        %add3A_597 = arith.addi %mul3A_390, %add3A_596 : i32
        %get3A_598 = arith.index_cast %rem3A_254 : i32 to index
        %get3A_599 = arith.index_cast %add3A_597 : i32 to index
        %get3A_600 = arith.constant 48 : index
        %get3A_601 = tpu.vector_load %arg6[%get3A_598, %get3A_599, %get3A_600] {strides = array<i32>} : memref<4x200x128xf32, #tpu.memory_space<vmem>>, vector<1x1x16xf32>,
        %get3A_602 = vector.shape_cast %get3A_601 : vector<1x1x16xf32> to vector<16xf32>
        %add3A_603 = arith.constant 3 : i32
        %add3A_604 = arith.addi %mul3A_390, %add3A_603 : i32
        %get3A_605 = arith.index_cast %rem3A_254 : i32 to index
        %get3A_606 = arith.index_cast %add3A_604 : i32 to index
        %get3A_607 = arith.constant 48 : index
        %get3A_608 = tpu.vector_load %arg6[%get3A_605, %get3A_606, %get3A_607] {strides = array<i32>} : memref<4x200x128xf32, #tpu.memory_space<vmem>>, vector<1x1x16xf32>,
        %get3A_609 = vector.shape_cast %get3A_608 : vector<1x1x16xf32> to vector<16xf32>
        %add3A_610 = arith.constant 4 : i32
        %add3A_611 = arith.addi %mul3A_390, %add3A_610 : i32
        %get3A_612 = arith.index_cast %rem3A_254 : i32 to index
        %get3A_613 = arith.index_cast %add3A_611 : i32 to index
        %get3A_614 = arith.constant 48 : index
        %get3A_615 = tpu.vector_load %arg6[%get3A_612, %get3A_613, %get3A_614] {strides = array<i32>} : memref<4x200x128xf32, #tpu.memory_space<vmem>>, vector<1x1x16xf32>,
        %get3A_616 = vector.shape_cast %get3A_615 : vector<1x1x16xf32> to vector<16xf32>
        %add3A_617 = arith.constant 5 : i32
        %add3A_618 = arith.addi %mul3A_390, %add3A_617 : i32
        %get3A_619 = arith.index_cast %rem3A_254 : i32 to index
        %get3A_620 = arith.index_cast %add3A_618 : i32 to index
        %get3A_621 = arith.constant 48 : index
        %get3A_622 = tpu.vector_load %arg6[%get3A_619, %get3A_620, %get3A_621] {strides = array<i32>} : memref<4x200x128xf32, #tpu.memory_space<vmem>>, vector<1x1x16xf32>,
        %get3A_623 = vector.shape_cast %get3A_622 : vector<1x1x16xf32> to vector<16xf32>
        %add3A_624 = arith.constant 6 : i32
        %add3A_625 = arith.addi %mul3A_390, %add3A_624 : i32
        %get3A_626 = arith.index_cast %rem3A_254 : i32 to index
        %get3A_627 = arith.index_cast %add3A_625 : i32 to index
        %get3A_628 = arith.constant 48 : index
        %get3A_629 = tpu.vector_load %arg6[%get3A_626, %get3A_627, %get3A_628] {strides = array<i32>} : memref<4x200x128xf32, #tpu.memory_space<vmem>>, vector<1x1x16xf32>,
        %get3A_630 = vector.shape_cast %get3A_629 : vector<1x1x16xf32> to vector<16xf32>
        %add3A_631 = arith.constant 7 : i32
        %add3A_632 = arith.addi %mul3A_390, %add3A_631 : i32
        %get3A_633 = arith.index_cast %rem3A_254 : i32 to index
        %get3A_634 = arith.index_cast %add3A_632 : i32 to index
        %get3A_635 = arith.constant 48 : index
        %get3A_636 = tpu.vector_load %arg6[%get3A_633, %get3A_634, %get3A_635] {strides = array<i32>} : memref<4x200x128xf32, #tpu.memory_space<vmem>>, vector<1x1x16xf32>,
        %get3A_637 = vector.shape_cast %get3A_636 : vector<1x1x16xf32> to vector<16xf32>
        %add3A_638 = arith.addf %get3A_588, %get3A_595 : vector<16xf32>
        %add3A_639 = arith.addf %get3A_602, %get3A_609 : vector<16xf32>
        %add3A_640 = arith.addf %get3A_616, %get3A_623 : vector<16xf32>
        %add3A_641 = arith.addf %get3A_630, %get3A_637 : vector<16xf32>
        %add3A_642 = arith.addf %add3A_638, %add3A_639 : vector<16xf32>
        %add3A_643 = arith.addf %add3A_640, %add3A_641 : vector<16xf32>
        %add3A_644 = arith.addf %add3A_642, %add3A_643 : vector<16xf32>
        %add3A_645 = arith.addf %scan3A_384, %add3A_644 : vector<16xf32>
        %add3A_646 = arith.constant 0 : i32
        %add3A_647 = arith.addi %mul3A_390, %add3A_646 : i32
        %get3A_648 = arith.index_cast %rem3A_254 : i32 to index
        %get3A_649 = arith.index_cast %add3A_647 : i32 to index
        %get3A_650 = arith.constant 64 : index
        %get3A_651 = tpu.vector_load %arg6[%get3A_648, %get3A_649, %get3A_650] {strides = array<i32>} : memref<4x200x128xf32, #tpu.memory_space<vmem>>, vector<1x1x16xf32>,
        %get3A_652 = vector.shape_cast %get3A_651 : vector<1x1x16xf32> to vector<16xf32>
        %add3A_653 = arith.constant 1 : i32
        %add3A_654 = arith.addi %mul3A_390, %add3A_653 : i32
        %get3A_655 = arith.index_cast %rem3A_254 : i32 to index
        %get3A_656 = arith.index_cast %add3A_654 : i32 to index
        %get3A_657 = arith.constant 64 : index
        %get3A_658 = tpu.vector_load %arg6[%get3A_655, %get3A_656, %get3A_657] {strides = array<i32>} : memref<4x200x128xf32, #tpu.memory_space<vmem>>, vector<1x1x16xf32>,
        %get3A_659 = vector.shape_cast %get3A_658 : vector<1x1x16xf32> to vector<16xf32>
        %add3A_660 = arith.constant 2 : i32
        %add3A_661 = arith.addi %mul3A_390, %add3A_660 : i32
        %get3A_662 = arith.index_cast %rem3A_254 : i32 to index
        %get3A_663 = arith.index_cast %add3A_661 : i32 to index
        %get3A_664 = arith.constant 64 : index
        %get3A_665 = tpu.vector_load %arg6[%get3A_662, %get3A_663, %get3A_664] {strides = array<i32>} : memref<4x200x128xf32, #tpu.memory_space<vmem>>, vector<1x1x16xf32>,
        %get3A_666 = vector.shape_cast %get3A_665 : vector<1x1x16xf32> to vector<16xf32>
        %add3A_667 = arith.constant 3 : i32
        %add3A_668 = arith.addi %mul3A_390, %add3A_667 : i32
        %get3A_669 = arith.index_cast %rem3A_254 : i32 to index
        %get3A_670 = arith.index_cast %add3A_668 : i32 to index
        %get3A_671 = arith.constant 64 : index
        %get3A_672 = tpu.vector_load %arg6[%get3A_669, %get3A_670, %get3A_671] {strides = array<i32>} : memref<4x200x128xf32, #tpu.memory_space<vmem>>, vector<1x1x16xf32>,
        %get3A_673 = vector.shape_cast %get3A_672 : vector<1x1x16xf32> to vector<16xf32>
        %add3A_674 = arith.constant 4 : i32
        %add3A_675 = arith.addi %mul3A_390, %add3A_674 : i32
        %get3A_676 = arith.index_cast %rem3A_254 : i32 to index
        %get3A_677 = arith.index_cast %add3A_675 : i32 to index
        %get3A_678 = arith.constant 64 : index
        %get3A_679 = tpu.vector_load %arg6[%get3A_676, %get3A_677, %get3A_678] {strides = array<i32>} : memref<4x200x128xf32, #tpu.memory_space<vmem>>, vector<1x1x16xf32>,
        %get3A_680 = vector.shape_cast %get3A_679 : vector<1x1x16xf32> to vector<16xf32>
        %add3A_681 = arith.constant 5 : i32
        %add3A_682 = arith.addi %mul3A_390, %add3A_681 : i32
        %get3A_683 = arith.index_cast %rem3A_254 : i32 to index
        %get3A_684 = arith.index_cast %add3A_682 : i32 to index
        %get3A_685 = arith.constant 64 : index
        %get3A_686 = tpu.vector_load %arg6[%get3A_683, %get3A_684, %get3A_685] {strides = array<i32>} : memref<4x200x128xf32, #tpu.memory_space<vmem>>, vector<1x1x16xf32>,
        %get3A_687 = vector.shape_cast %get3A_686 : vector<1x1x16xf32> to vector<16xf32>
        %add3A_688 = arith.constant 6 : i32
        %add3A_689 = arith.addi %mul3A_390, %add3A_688 : i32
        %get3A_690 = arith.index_cast %rem3A_254 : i32 to index
        %get3A_691 = arith.index_cast %add3A_689 : i32 to index
        %get3A_692 = arith.constant 64 : index
        %get3A_693 = tpu.vector_load %arg6[%get3A_690, %get3A_691, %get3A_692] {strides = array<i32>} : memref<4x200x128xf32, #tpu.memory_space<vmem>>, vector<1x1x16xf32>,
        %get3A_694 = vector.shape_cast %get3A_693 : vector<1x1x16xf32> to vector<16xf32>
        %add3A_695 = arith.constant 7 : i32
        %add3A_696 = arith.addi %mul3A_390, %add3A_695 : i32
        %get3A_697 = arith.index_cast %rem3A_254 : i32 to index
        %get3A_698 = arith.index_cast %add3A_696 : i32 to index
        %get3A_699 = arith.constant 64 : index
        %get3A_700 = tpu.vector_load %arg6[%get3A_697, %get3A_698, %get3A_699] {strides = array<i32>} : memref<4x200x128xf32, #tpu.memory_space<vmem>>, vector<1x1x16xf32>,
        %get3A_701 = vector.shape_cast %get3A_700 : vector<1x1x16xf32> to vector<16xf32>
        %add3A_702 = arith.addf %get3A_652, %get3A_659 : vector<16xf32>
        %add3A_703 = arith.addf %get3A_666, %get3A_673 : vector<16xf32>
        %add3A_704 = arith.addf %get3A_680, %get3A_687 : vector<16xf32>
        %add3A_705 = arith.addf %get3A_694, %get3A_701 : vector<16xf32>
        %add3A_706 = arith.addf %add3A_702, %add3A_703 : vector<16xf32>
        %add3A_707 = arith.addf %add3A_704, %add3A_705 : vector<16xf32>
        %add3A_708 = arith.addf %add3A_706, %add3A_707 : vector<16xf32>
        %add3A_709 = arith.addf %scan3A_385, %add3A_708 : vector<16xf32>
        %add3A_710 = arith.constant 0 : i32
        %add3A_711 = arith.addi %mul3A_390, %add3A_710 : i32
        %get3A_712 = arith.index_cast %rem3A_254 : i32 to index
        %get3A_713 = arith.index_cast %add3A_711 : i32 to index
        %get3A_714 = arith.constant 80 : index
        %get3A_715 = tpu.vector_load %arg6[%get3A_712, %get3A_713, %get3A_714] {strides = array<i32>} : memref<4x200x128xf32, #tpu.memory_space<vmem>>, vector<1x1x16xf32>,
        %get3A_716 = vector.shape_cast %get3A_715 : vector<1x1x16xf32> to vector<16xf32>
        %add3A_717 = arith.constant 1 : i32
        %add3A_718 = arith.addi %mul3A_390, %add3A_717 : i32
        %get3A_719 = arith.index_cast %rem3A_254 : i32 to index
        %get3A_720 = arith.index_cast %add3A_718 : i32 to index
        %get3A_721 = arith.constant 80 : index
        %get3A_722 = tpu.vector_load %arg6[%get3A_719, %get3A_720, %get3A_721] {strides = array<i32>} : memref<4x200x128xf32, #tpu.memory_space<vmem>>, vector<1x1x16xf32>,
        %get3A_723 = vector.shape_cast %get3A_722 : vector<1x1x16xf32> to vector<16xf32>
        %add3A_724 = arith.constant 2 : i32
        %add3A_725 = arith.addi %mul3A_390, %add3A_724 : i32
        %get3A_726 = arith.index_cast %rem3A_254 : i32 to index
        %get3A_727 = arith.index_cast %add3A_725 : i32 to index
        %get3A_728 = arith.constant 80 : index
        %get3A_729 = tpu.vector_load %arg6[%get3A_726, %get3A_727, %get3A_728] {strides = array<i32>} : memref<4x200x128xf32, #tpu.memory_space<vmem>>, vector<1x1x16xf32>,
        %get3A_730 = vector.shape_cast %get3A_729 : vector<1x1x16xf32> to vector<16xf32>
        %add3A_731 = arith.constant 3 : i32
        %add3A_732 = arith.addi %mul3A_390, %add3A_731 : i32
        %get3A_733 = arith.index_cast %rem3A_254 : i32 to index
        %get3A_734 = arith.index_cast %add3A_732 : i32 to index
        %get3A_735 = arith.constant 80 : index
        %get3A_736 = tpu.vector_load %arg6[%get3A_733, %get3A_734, %get3A_735] {strides = array<i32>} : memref<4x200x128xf32, #tpu.memory_space<vmem>>, vector<1x1x16xf32>,
        %get3A_737 = vector.shape_cast %get3A_736 : vector<1x1x16xf32> to vector<16xf32>
        %add3A_738 = arith.constant 4 : i32
        %add3A_739 = arith.addi %mul3A_390, %add3A_738 : i32
        %get3A_740 = arith.index_cast %rem3A_254 : i32 to index
        %get3A_741 = arith.index_cast %add3A_739 : i32 to index
        %get3A_742 = arith.constant 80 : index
        %get3A_743 = tpu.vector_load %arg6[%get3A_740, %get3A_741, %get3A_742] {strides = array<i32>} : memref<4x200x128xf32, #tpu.memory_space<vmem>>, vector<1x1x16xf32>,
        %get3A_744 = vector.shape_cast %get3A_743 : vector<1x1x16xf32> to vector<16xf32>
        %add3A_745 = arith.constant 5 : i32
        %add3A_746 = arith.addi %mul3A_390, %add3A_745 : i32
        %get3A_747 = arith.index_cast %rem3A_254 : i32 to index
        %get3A_748 = arith.index_cast %add3A_746 : i32 to index
        %get3A_749 = arith.constant 80 : index
        %get3A_750 = tpu.vector_load %arg6[%get3A_747, %get3A_748, %get3A_749] {strides = array<i32>} : memref<4x200x128xf32, #tpu.memory_space<vmem>>, vector<1x1x16xf32>,
        %get3A_751 = vector.shape_cast %get3A_750 : vector<1x1x16xf32> to vector<16xf32>
        %add3A_752 = arith.constant 6 : i32
        %add3A_753 = arith.addi %mul3A_390, %add3A_752 : i32
        %get3A_754 = arith.index_cast %rem3A_254 : i32 to index
        %get3A_755 = arith.index_cast %add3A_753 : i32 to index
        %get3A_756 = arith.constant 80 : index
        %get3A_757 = tpu.vector_load %arg6[%get3A_754, %get3A_755, %get3A_756] {strides = array<i32>} : memref<4x200x128xf32, #tpu.memory_space<vmem>>, vector<1x1x16xf32>,
        %get3A_758 = vector.shape_cast %get3A_757 : vector<1x1x16xf32> to vector<16xf32>
        %add3A_759 = arith.constant 7 : i32
        %add3A_760 = arith.addi %mul3A_390, %add3A_759 : i32
        %get3A_761 = arith.index_cast %rem3A_254 : i32 to index
        %get3A_762 = arith.index_cast %add3A_760 : i32 to index
        %get3A_763 = arith.constant 80 : index
        %get3A_764 = tpu.vector_load %arg6[%get3A_761, %get3A_762, %get3A_763] {strides = array<i32>} : memref<4x200x128xf32, #tpu.memory_space<vmem>>, vector<1x1x16xf32>,
        %get3A_765 = vector.shape_cast %get3A_764 : vector<1x1x16xf32> to vector<16xf32>
        %add3A_766 = arith.addf %get3A_716, %get3A_723 : vector<16xf32>
        %add3A_767 = arith.addf %get3A_730, %get3A_737 : vector<16xf32>
        %add3A_768 = arith.addf %get3A_744, %get3A_751 : vector<16xf32>
        %add3A_769 = arith.addf %get3A_758, %get3A_765 : vector<16xf32>
        %add3A_770 = arith.addf %add3A_766, %add3A_767 : vector<16xf32>
        %add3A_771 = arith.addf %add3A_768, %add3A_769 : vector<16xf32>
        %add3A_772 = arith.addf %add3A_770, %add3A_771 : vector<16xf32>
        %add3A_773 = arith.addf %scan3A_386, %add3A_772 : vector<16xf32>
        %add3A_774 = arith.constant 0 : i32
        %add3A_775 = arith.addi %mul3A_390, %add3A_774 : i32
        %get3A_776 = arith.index_cast %rem3A_254 : i32 to index
        %get3A_777 = arith.index_cast %add3A_775 : i32 to index
        %get3A_778 = arith.constant 96 : index
        %get3A_779 = tpu.vector_load %arg6[%get3A_776, %get3A_777, %get3A_778] {strides = array<i32>} : memref<4x200x128xf32, #tpu.memory_space<vmem>>, vector<1x1x16xf32>,
        %get3A_780 = vector.shape_cast %get3A_779 : vector<1x1x16xf32> to vector<16xf32>
        %add3A_781 = arith.constant 1 : i32
        %add3A_782 = arith.addi %mul3A_390, %add3A_781 : i32
        %get3A_783 = arith.index_cast %rem3A_254 : i32 to index
        %get3A_784 = arith.index_cast %add3A_782 : i32 to index
        %get3A_785 = arith.constant 96 : index
        %get3A_786 = tpu.vector_load %arg6[%get3A_783, %get3A_784, %get3A_785] {strides = array<i32>} : memref<4x200x128xf32, #tpu.memory_space<vmem>>, vector<1x1x16xf32>,
        %get3A_787 = vector.shape_cast %get3A_786 : vector<1x1x16xf32> to vector<16xf32>
        %add3A_788 = arith.constant 2 : i32
        %add3A_789 = arith.addi %mul3A_390, %add3A_788 : i32
        %get3A_790 = arith.index_cast %rem3A_254 : i32 to index
        %get3A_791 = arith.index_cast %add3A_789 : i32 to index
        %get3A_792 = arith.constant 96 : index
        %get3A_793 = tpu.vector_load %arg6[%get3A_790, %get3A_791, %get3A_792] {strides = array<i32>} : memref<4x200x128xf32, #tpu.memory_space<vmem>>, vector<1x1x16xf32>,
        %get3A_794 = vector.shape_cast %get3A_793 : vector<1x1x16xf32> to vector<16xf32>
        %add3A_795 = arith.constant 3 : i32
        %add3A_796 = arith.addi %mul3A_390, %add3A_795 : i32
        %get3A_797 = arith.index_cast %rem3A_254 : i32 to index
        %get3A_798 = arith.index_cast %add3A_796 : i32 to index
        %get3A_799 = arith.constant 96 : index
        %get3A_800 = tpu.vector_load %arg6[%get3A_797, %get3A_798, %get3A_799] {strides = array<i32>} : memref<4x200x128xf32, #tpu.memory_space<vmem>>, vector<1x1x16xf32>,
        %get3A_801 = vector.shape_cast %get3A_800 : vector<1x1x16xf32> to vector<16xf32>
        %add3A_802 = arith.constant 4 : i32
        %add3A_803 = arith.addi %mul3A_390, %add3A_802 : i32
        %get3A_804 = arith.index_cast %rem3A_254 : i32 to index
        %get3A_805 = arith.index_cast %add3A_803 : i32 to index
        %get3A_806 = arith.constant 96 : index
        %get3A_807 = tpu.vector_load %arg6[%get3A_804, %get3A_805, %get3A_806] {strides = array<i32>} : memref<4x200x128xf32, #tpu.memory_space<vmem>>, vector<1x1x16xf32>,
        %get3A_808 = vector.shape_cast %get3A_807 : vector<1x1x16xf32> to vector<16xf32>
        %add3A_809 = arith.constant 5 : i32
        %add3A_810 = arith.addi %mul3A_390, %add3A_809 : i32
        %get3A_811 = arith.index_cast %rem3A_254 : i32 to index
        %get3A_812 = arith.index_cast %add3A_810 : i32 to index
        %get3A_813 = arith.constant 96 : index
        %get3A_814 = tpu.vector_load %arg6[%get3A_811, %get3A_812, %get3A_813] {strides = array<i32>} : memref<4x200x128xf32, #tpu.memory_space<vmem>>, vector<1x1x16xf32>,
        %get3A_815 = vector.shape_cast %get3A_814 : vector<1x1x16xf32> to vector<16xf32>
        %add3A_816 = arith.constant 6 : i32
        %add3A_817 = arith.addi %mul3A_390, %add3A_816 : i32
        %get3A_818 = arith.index_cast %rem3A_254 : i32 to index
        %get3A_819 = arith.index_cast %add3A_817 : i32 to index
        %get3A_820 = arith.constant 96 : index
        %get3A_821 = tpu.vector_load %arg6[%get3A_818, %get3A_819, %get3A_820] {strides = array<i32>} : memref<4x200x128xf32, #tpu.memory_space<vmem>>, vector<1x1x16xf32>,
        %get3A_822 = vector.shape_cast %get3A_821 : vector<1x1x16xf32> to vector<16xf32>
        %add3A_823 = arith.constant 7 : i32
        %add3A_824 = arith.addi %mul3A_390, %add3A_823 : i32
        %get3A_825 = arith.index_cast %rem3A_254 : i32 to index
        %get3A_826 = arith.index_cast %add3A_824 : i32 to index
        %get3A_827 = arith.constant 96 : index
        %get3A_828 = tpu.vector_load %arg6[%get3A_825, %get3A_826, %get3A_827] {strides = array<i32>} : memref<4x200x128xf32, #tpu.memory_space<vmem>>, vector<1x1x16xf32>,
        %get3A_829 = vector.shape_cast %get3A_828 : vector<1x1x16xf32> to vector<16xf32>
        %add3A_830 = arith.addf %get3A_780, %get3A_787 : vector<16xf32>
        %add3A_831 = arith.addf %get3A_794, %get3A_801 : vector<16xf32>
        %add3A_832 = arith.addf %get3A_808, %get3A_815 : vector<16xf32>
        %add3A_833 = arith.addf %get3A_822, %get3A_829 : vector<16xf32>
        %add3A_834 = arith.addf %add3A_830, %add3A_831 : vector<16xf32>
        %add3A_835 = arith.addf %add3A_832, %add3A_833 : vector<16xf32>
        %add3A_836 = arith.addf %add3A_834, %add3A_835 : vector<16xf32>
        %add3A_837 = arith.addf %scan3A_387, %add3A_836 : vector<16xf32>
        %add3A_838 = arith.constant 0 : i32
        %add3A_839 = arith.addi %mul3A_390, %add3A_838 : i32
        %get3A_840 = arith.index_cast %rem3A_254 : i32 to index
        %get3A_841 = arith.index_cast %add3A_839 : i32 to index
        %get3A_842 = arith.constant 112 : index
        %get3A_843 = tpu.vector_load %arg6[%get3A_840, %get3A_841, %get3A_842] {strides = array<i32>} : memref<4x200x128xf32, #tpu.memory_space<vmem>>, vector<1x1x16xf32>,
        %get3A_844 = vector.shape_cast %get3A_843 : vector<1x1x16xf32> to vector<16xf32>
        %add3A_845 = arith.constant 1 : i32
        %add3A_846 = arith.addi %mul3A_390, %add3A_845 : i32
        %get3A_847 = arith.index_cast %rem3A_254 : i32 to index
        %get3A_848 = arith.index_cast %add3A_846 : i32 to index
        %get3A_849 = arith.constant 112 : index
        %get3A_850 = tpu.vector_load %arg6[%get3A_847, %get3A_848, %get3A_849] {strides = array<i32>} : memref<4x200x128xf32, #tpu.memory_space<vmem>>, vector<1x1x16xf32>,
        %get3A_851 = vector.shape_cast %get3A_850 : vector<1x1x16xf32> to vector<16xf32>
        %add3A_852 = arith.constant 2 : i32
        %add3A_853 = arith.addi %mul3A_390, %add3A_852 : i32
        %get3A_854 = arith.index_cast %rem3A_254 : i32 to index
        %get3A_855 = arith.index_cast %add3A_853 : i32 to index
        %get3A_856 = arith.constant 112 : index
        %get3A_857 = tpu.vector_load %arg6[%get3A_854, %get3A_855, %get3A_856] {strides = array<i32>} : memref<4x200x128xf32, #tpu.memory_space<vmem>>, vector<1x1x16xf32>,
        %get3A_858 = vector.shape_cast %get3A_857 : vector<1x1x16xf32> to vector<16xf32>
        %add3A_859 = arith.constant 3 : i32
        %add3A_860 = arith.addi %mul3A_390, %add3A_859 : i32
        %get3A_861 = arith.index_cast %rem3A_254 : i32 to index
        %get3A_862 = arith.index_cast %add3A_860 : i32 to index
        %get3A_863 = arith.constant 112 : index
        %get3A_864 = tpu.vector_load %arg6[%get3A_861, %get3A_862, %get3A_863] {strides = array<i32>} : memref<4x200x128xf32, #tpu.memory_space<vmem>>, vector<1x1x16xf32>,
        %get3A_865 = vector.shape_cast %get3A_864 : vector<1x1x16xf32> to vector<16xf32>
        %add3A_866 = arith.constant 4 : i32
        %add3A_867 = arith.addi %mul3A_390, %add3A_866 : i32
        %get3A_868 = arith.index_cast %rem3A_254 : i32 to index
        %get3A_869 = arith.index_cast %add3A_867 : i32 to index
        %get3A_870 = arith.constant 112 : index
        %get3A_871 = tpu.vector_load %arg6[%get3A_868, %get3A_869, %get3A_870] {strides = array<i32>} : memref<4x200x128xf32, #tpu.memory_space<vmem>>, vector<1x1x16xf32>,
        %get3A_872 = vector.shape_cast %get3A_871 : vector<1x1x16xf32> to vector<16xf32>
        %add3A_873 = arith.constant 5 : i32
        %add3A_874 = arith.addi %mul3A_390, %add3A_873 : i32
        %get3A_875 = arith.index_cast %rem3A_254 : i32 to index
        %get3A_876 = arith.index_cast %add3A_874 : i32 to index
        %get3A_877 = arith.constant 112 : index
        %get3A_878 = tpu.vector_load %arg6[%get3A_875, %get3A_876, %get3A_877] {strides = array<i32>} : memref<4x200x128xf32, #tpu.memory_space<vmem>>, vector<1x1x16xf32>,
        %get3A_879 = vector.shape_cast %get3A_878 : vector<1x1x16xf32> to vector<16xf32>
        %add3A_880 = arith.constant 6 : i32
        %add3A_881 = arith.addi %mul3A_390, %add3A_880 : i32
        %get3A_882 = arith.index_cast %rem3A_254 : i32 to index
        %get3A_883 = arith.index_cast %add3A_881 : i32 to index
        %get3A_884 = arith.constant 112 : index
        %get3A_885 = tpu.vector_load %arg6[%get3A_882, %get3A_883, %get3A_884] {strides = array<i32>} : memref<4x200x128xf32, #tpu.memory_space<vmem>>, vector<1x1x16xf32>,
        %get3A_886 = vector.shape_cast %get3A_885 : vector<1x1x16xf32> to vector<16xf32>
        %add3A_887 = arith.constant 7 : i32
        %add3A_888 = arith.addi %mul3A_390, %add3A_887 : i32
        %get3A_889 = arith.index_cast %rem3A_254 : i32 to index
        %get3A_890 = arith.index_cast %add3A_888 : i32 to index
        %get3A_891 = arith.constant 112 : index
        %get3A_892 = tpu.vector_load %arg6[%get3A_889, %get3A_890, %get3A_891] {strides = array<i32>} : memref<4x200x128xf32, #tpu.memory_space<vmem>>, vector<1x1x16xf32>,
        %get3A_893 = vector.shape_cast %get3A_892 : vector<1x1x16xf32> to vector<16xf32>
        %add3A_894 = arith.addf %get3A_844, %get3A_851 : vector<16xf32>
        %add3A_895 = arith.addf %get3A_858, %get3A_865 : vector<16xf32>
        %add3A_896 = arith.addf %get3A_872, %get3A_879 : vector<16xf32>
        %add3A_897 = arith.addf %get3A_886, %get3A_893 : vector<16xf32>
        %add3A_898 = arith.addf %add3A_894, %add3A_895 : vector<16xf32>
        %add3A_899 = arith.addf %add3A_896, %add3A_897 : vector<16xf32>
        %add3A_900 = arith.addf %add3A_898, %add3A_899 : vector<16xf32>
        %add3A_901 = arith.addf %scan3A_388, %add3A_900 : vector<16xf32>
        scf.yield %add3A_453, %add3A_517, %add3A_581, %add3A_645, %add3A_709, %add3A_773, %add3A_837, %add3A_901 : vector<16xf32>, vector<16xf32>, vector<16xf32>, vector<16xf32>, vector<16xf32>, vector<16xf32>, vector<16xf32>, vector<16xf32>
      }
      %scan3A_321 = arith.constant 25 : i32
      %ge3A = arith.constant 2 : i32
      %ge3A_322 = arith.cmpi sge, %scan3A_253, %ge3A : i32
      %convert_element_type3A_323 = arith.extui %ge3A_322 : i1 to i32
      %cond3A_324 = arith.constant 0 : i32
      %cond3A_325 = arith.cmpi ne, %convert_element_type3A_323, %cond3A_324 : i32
      scf.if %cond3A_325 {
        %dma_wait3A_380 = arith.constant 0 : i32
        %dma_wait3A_381 = arith.constant 0 : i32
        %dma_wait3A_382 = tpu.memref_slice %arg7[%rem3A_256, %dma_wait3A_381] : memref<2x128xf32, #tpu.memory_space<vmem>> -> memref<1x128xf32, #tpu.memory_space<vmem>>
        %dma_wait3A_383 = tpu.memref_squeeze %dma_wait3A_382 : memref<1x128xf32, #tpu.memory_space<vmem>> -> memref<128xf32, #tpu.memory_space<vmem>>
        %dma_wait3A_384 = arith.constant 0 : i32
        %dma_wait3A_385 = tpu.memref_slice %arg4[%dma_wait3A_380, %dma_wait3A_384] : memref<4096x128xf32, #tpu.memory_space<hbm>> -> memref<1x128xf32, #tpu.memory_space<hbm>>
        %dma_wait3A_386 = tpu.memref_squeeze %dma_wait3A_385 : memref<1x128xf32, #tpu.memory_space<hbm>> -> memref<128xf32, #tpu.memory_space<hbm>>
        %dma_wait3A_387 = tpu.memref_slice %arg10[%rem3A_256] : memref<2x!tpu.dma_semaphore, #tpu.memory_space<semaphore_mem>> -> memref<1x!tpu.dma_semaphore, #tpu.memory_space<semaphore_mem>>
        %dma_wait3A_388 = tpu.memref_squeeze %dma_wait3A_387 : memref<1x!tpu.dma_semaphore, #tpu.memory_space<semaphore_mem>> -> memref<!tpu.dma_semaphore, #tpu.memory_space<semaphore_mem>>
        %dma_wait3A_389 = arith.constant 0 : i32
        %dma_wait3A_390 = tpu.memref_slice %arg4[%dma_wait3A_380, %dma_wait3A_389] : memref<4096x128xf32, #tpu.memory_space<hbm>> -> memref<1x128xf32, #tpu.memory_space<hbm>>
        %dma_wait3A_391 = tpu.memref_squeeze %dma_wait3A_390 : memref<1x128xf32, #tpu.memory_space<hbm>> -> memref<128xf32, #tpu.memory_space<hbm>>
        %dma_wait3A_392 = arith.constant 0 : i32
        %dma_wait3A_393 = tpu.memref_slice %arg7[%rem3A_256, %dma_wait3A_392] : memref<2x128xf32, #tpu.memory_space<vmem>> -> memref<1x128xf32, #tpu.memory_space<vmem>>
        %dma_wait3A_394 = tpu.memref_squeeze %dma_wait3A_393 : memref<1x128xf32, #tpu.memory_space<vmem>> -> memref<128xf32, #tpu.memory_space<vmem>>
        tpu.wait_dma2 semaphore(%dma_wait3A_388 : memref<!tpu.dma_semaphore, #tpu.memory_space<semaphore_mem>>) src(%dma_wait3A_394 : memref<128xf32, #tpu.memory_space<vmem>>) dst(%dma_wait3A_391 : memref<128xf32, #tpu.memory_space<hbm>>)
      } else {
      }
      %swap3A = arith.index_cast %rem3A_256 : i32 to index
      %swap3A_326 = arith.constant 0 : index
      %swap3A_327 = tpu.vector_load %arg7[%swap3A, %swap3A_326] {strides = array<i32>} : memref<2x128xf32, #tpu.memory_space<vmem>>, vector<1x16xf32>,
      %swap3A_328 = vector.shape_cast %swap3A_327 : vector<1x16xf32> to vector<16xf32>
      %swap3A_329 = vector.shape_cast %scan3A_320#0 : vector<16xf32> to vector<1x16xf32>
      tpu.vector_store %arg7[%swap3A, %swap3A_326], %swap3A_329 {strides = array<i32>} : memref<2x128xf32, #tpu.memory_space<vmem>>, vector<1x16xf32>,
      %swap3A_330 = arith.index_cast %rem3A_256 : i32 to index
      %swap3A_331 = arith.constant 16 : index
      %swap3A_332 = tpu.vector_load %arg7[%swap3A_330, %swap3A_331] {strides = array<i32>} : memref<2x128xf32, #tpu.memory_space<vmem>>, vector<1x16xf32>,
      %swap3A_333 = vector.shape_cast %swap3A_332 : vector<1x16xf32> to vector<16xf32>
      %swap3A_334 = vector.shape_cast %scan3A_320#1 : vector<16xf32> to vector<1x16xf32>
      tpu.vector_store %arg7[%swap3A_330, %swap3A_331], %swap3A_334 {strides = array<i32>} : memref<2x128xf32, #tpu.memory_space<vmem>>, vector<1x16xf32>,
      %swap3A_335 = arith.index_cast %rem3A_256 : i32 to index
      %swap3A_336 = arith.constant 32 : index
      %swap3A_337 = tpu.vector_load %arg7[%swap3A_335, %swap3A_336] {strides = array<i32>} : memref<2x128xf32, #tpu.memory_space<vmem>>, vector<1x16xf32>,
      %swap3A_338 = vector.shape_cast %swap3A_337 : vector<1x16xf32> to vector<16xf32>
      %swap3A_339 = vector.shape_cast %scan3A_320#2 : vector<16xf32> to vector<1x16xf32>
      tpu.vector_store %arg7[%swap3A_335, %swap3A_336], %swap3A_339 {strides = array<i32>} : memref<2x128xf32, #tpu.memory_space<vmem>>, vector<1x16xf32>,
      %swap3A_340 = arith.index_cast %rem3A_256 : i32 to index
      %swap3A_341 = arith.constant 48 : index
      %swap3A_342 = tpu.vector_load %arg7[%swap3A_340, %swap3A_341] {strides = array<i32>} : memref<2x128xf32, #tpu.memory_space<vmem>>, vector<1x16xf32>,
      %swap3A_343 = vector.shape_cast %swap3A_342 : vector<1x16xf32> to vector<16xf32>
      %swap3A_344 = vector.shape_cast %scan3A_320#3 : vector<16xf32> to vector<1x16xf32>
      tpu.vector_store %arg7[%swap3A_340, %swap3A_341], %swap3A_344 {strides = array<i32>} : memref<2x128xf32, #tpu.memory_space<vmem>>, vector<1x16xf32>,
      %swap3A_345 = arith.index_cast %rem3A_256 : i32 to index
      %swap3A_346 = arith.constant 64 : index
      %swap3A_347 = tpu.vector_load %arg7[%swap3A_345, %swap3A_346] {strides = array<i32>} : memref<2x128xf32, #tpu.memory_space<vmem>>, vector<1x16xf32>,
      %swap3A_348 = vector.shape_cast %swap3A_347 : vector<1x16xf32> to vector<16xf32>
      %swap3A_349 = vector.shape_cast %scan3A_320#4 : vector<16xf32> to vector<1x16xf32>
      tpu.vector_store %arg7[%swap3A_345, %swap3A_346], %swap3A_349 {strides = array<i32>} : memref<2x128xf32, #tpu.memory_space<vmem>>, vector<1x16xf32>,
      %swap3A_350 = arith.index_cast %rem3A_256 : i32 to index
      %swap3A_351 = arith.constant 80 : index
      %swap3A_352 = tpu.vector_load %arg7[%swap3A_350, %swap3A_351] {strides = array<i32>} : memref<2x128xf32, #tpu.memory_space<vmem>>, vector<1x16xf32>,
      %swap3A_353 = vector.shape_cast %swap3A_352 : vector<1x16xf32> to vector<16xf32>
      %swap3A_354 = vector.shape_cast %scan3A_320#5 : vector<16xf32> to vector<1x16xf32>
      tpu.vector_store %arg7[%swap3A_350, %swap3A_351], %swap3A_354 {strides = array<i32>} : memref<2x128xf32, #tpu.memory_space<vmem>>, vector<1x16xf32>,
      %swap3A_355 = arith.index_cast %rem3A_256 : i32 to index
      %swap3A_356 = arith.constant 96 : index
      %swap3A_357 = tpu.vector_load %arg7[%swap3A_355, %swap3A_356] {strides = array<i32>} : memref<2x128xf32, #tpu.memory_space<vmem>>, vector<1x16xf32>,
      %swap3A_358 = vector.shape_cast %swap3A_357 : vector<1x16xf32> to vector<16xf32>
      %swap3A_359 = vector.shape_cast %scan3A_320#6 : vector<16xf32> to vector<1x16xf32>
      tpu.vector_store %arg7[%swap3A_355, %swap3A_356], %swap3A_359 {strides = array<i32>} : memref<2x128xf32, #tpu.memory_space<vmem>>, vector<1x16xf32>,
      %swap3A_360 = arith.index_cast %rem3A_256 : i32 to index
      %swap3A_361 = arith.constant 112 : index
      %swap3A_362 = tpu.vector_load %arg7[%swap3A_360, %swap3A_361] {strides = array<i32>} : memref<2x128xf32, #tpu.memory_space<vmem>>, vector<1x16xf32>,
      %swap3A_363 = vector.shape_cast %swap3A_362 : vector<1x16xf32> to vector<16xf32>
      %swap3A_364 = vector.shape_cast %scan3A_320#7 : vector<16xf32> to vector<1x16xf32>
      tpu.vector_store %arg7[%swap3A_360, %swap3A_361], %swap3A_364 {strides = array<i32>} : memref<2x128xf32, #tpu.memory_space<vmem>>, vector<1x16xf32>,
      %add3A_365 = arith.addi %mul3A_2, %scan3A_253 : i32
      %dma_start3A_366 = arith.constant 0 : i32
      %dma_start3A_367 = tpu.memref_slice %arg7[%rem3A_256, %dma_start3A_366] : memref<2x128xf32, #tpu.memory_space<vmem>> -> memref<1x128xf32, #tpu.memory_space<vmem>>
      %dma_start3A_368 = tpu.memref_squeeze %dma_start3A_367 : memref<1x128xf32, #tpu.memory_space<vmem>> -> memref<128xf32, #tpu.memory_space<vmem>>
      %dma_start3A_369 = arith.constant 0 : i32
      %dma_start3A_370 = tpu.memref_slice %arg4[%add3A_365, %dma_start3A_369] : memref<4096x128xf32, #tpu.memory_space<hbm>> -> memref<1x128xf32, #tpu.memory_space<hbm>>
      %dma_start3A_371 = tpu.memref_squeeze %dma_start3A_370 : memref<1x128xf32, #tpu.memory_space<hbm>> -> memref<128xf32, #tpu.memory_space<hbm>>
      %dma_start3A_372 = tpu.memref_slice %arg10[%rem3A_256] : memref<2x!tpu.dma_semaphore, #tpu.memory_space<semaphore_mem>> -> memref<1x!tpu.dma_semaphore, #tpu.memory_space<semaphore_mem>>
      %dma_start3A_373 = tpu.memref_squeeze %dma_start3A_372 : memref<1x!tpu.dma_semaphore, #tpu.memory_space<semaphore_mem>> -> memref<!tpu.dma_semaphore, #tpu.memory_space<semaphore_mem>>
      %dma_start3A_374 = arith.constant 0 : i32
      %dma_start3A_375 = tpu.memref_slice %arg4[%add3A_365, %dma_start3A_374] : memref<4096x128xf32, #tpu.memory_space<hbm>> -> memref<1x128xf32, #tpu.memory_space<hbm>>
      %dma_start3A_376 = tpu.memref_squeeze %dma_start3A_375 : memref<1x128xf32, #tpu.memory_space<hbm>> -> memref<128xf32, #tpu.memory_space<hbm>>
      %dma_start3A_377 = arith.constant 0 : i32
      %dma_start3A_378 = tpu.memref_slice %arg7[%rem3A_256, %dma_start3A_377] : memref<2x128xf32, #tpu.memory_space<vmem>> -> memref<1x128xf32, #tpu.memory_space<vmem>>
      %dma_start3A_379 = tpu.memref_squeeze %dma_start3A_378 : memref<1x128xf32, #tpu.memory_space<vmem>> -> memref<128xf32, #tpu.memory_space<vmem>>
      tpu.enqueue_dma source(%dma_start3A_379 : memref<128xf32, #tpu.memory_space<vmem>>) target(%dma_start3A_376 : memref<128xf32, #tpu.memory_space<hbm>>) target_semaphore(%dma_start3A_373 : memref<!tpu.dma_semaphore, #tpu.memory_space<semaphore_mem>>)
    }
    %scan3A_218 = arith.constant 128 : i32
    %dma_wait3A_219 = arith.constant 0 : i32
    %dma_wait3A_220 = arith.constant 0 : i32
    %dma_wait3A_221 = arith.constant 0 : i32
    %dma_wait3A_222 = arith.constant 0 : i32
    %dma_wait3A_223 = tpu.memref_slice %arg7[%dma_wait3A_219, %dma_wait3A_222] : memref<2x128xf32, #tpu.memory_space<vmem>> -> memref<1x128xf32, #tpu.memory_space<vmem>>
    %dma_wait3A_224 = tpu.memref_squeeze %dma_wait3A_223 : memref<1x128xf32, #tpu.memory_space<vmem>> -> memref<128xf32, #tpu.memory_space<vmem>>
    %dma_wait3A_225 = arith.constant 0 : i32
    %dma_wait3A_226 = tpu.memref_slice %arg4[%dma_wait3A_220, %dma_wait3A_225] : memref<4096x128xf32, #tpu.memory_space<hbm>> -> memref<1x128xf32, #tpu.memory_space<hbm>>
    %dma_wait3A_227 = tpu.memref_squeeze %dma_wait3A_226 : memref<1x128xf32, #tpu.memory_space<hbm>> -> memref<128xf32, #tpu.memory_space<hbm>>
    %dma_wait3A_228 = tpu.memref_slice %arg10[%dma_wait3A_221] : memref<2x!tpu.dma_semaphore, #tpu.memory_space<semaphore_mem>> -> memref<1x!tpu.dma_semaphore, #tpu.memory_space<semaphore_mem>>
    %dma_wait3A_229 = tpu.memref_squeeze %dma_wait3A_228 : memref<1x!tpu.dma_semaphore, #tpu.memory_space<semaphore_mem>> -> memref<!tpu.dma_semaphore, #tpu.memory_space<semaphore_mem>>
    %dma_wait3A_230 = arith.constant 0 : i32
    %dma_wait3A_231 = tpu.memref_slice %arg4[%dma_wait3A_220, %dma_wait3A_230] : memref<4096x128xf32, #tpu.memory_space<hbm>> -> memref<1x128xf32, #tpu.memory_space<hbm>>
    %dma_wait3A_232 = tpu.memref_squeeze %dma_wait3A_231 : memref<1x128xf32, #tpu.memory_space<hbm>> -> memref<128xf32, #tpu.memory_space<hbm>>
    %dma_wait3A_233 = arith.constant 0 : i32
    %dma_wait3A_234 = tpu.memref_slice %arg7[%dma_wait3A_219, %dma_wait3A_233] : memref<2x128xf32, #tpu.memory_space<vmem>> -> memref<1x128xf32, #tpu.memory_space<vmem>>
    %dma_wait3A_235 = tpu.memref_squeeze %dma_wait3A_234 : memref<1x128xf32, #tpu.memory_space<vmem>> -> memref<128xf32, #tpu.memory_space<vmem>>
    tpu.wait_dma2 semaphore(%dma_wait3A_229 : memref<!tpu.dma_semaphore, #tpu.memory_space<semaphore_mem>>) src(%dma_wait3A_235 : memref<128xf32, #tpu.memory_space<vmem>>) dst(%dma_wait3A_232 : memref<128xf32, #tpu.memory_space<hbm>>)
    %dma_wait3A_236 = arith.constant 1 : i32
    %dma_wait3A_237 = arith.constant 0 : i32
    %dma_wait3A_238 = arith.constant 1 : i32
    %dma_wait3A_239 = arith.constant 0 : i32
    %dma_wait3A_240 = tpu.memref_slice %arg7[%dma_wait3A_236, %dma_wait3A_239] : memref<2x128xf32, #tpu.memory_space<vmem>> -> memref<1x128xf32, #tpu.memory_space<vmem>>
    %dma_wait3A_241 = tpu.memref_squeeze %dma_wait3A_240 : memref<1x128xf32, #tpu.memory_space<vmem>> -> memref<128xf32, #tpu.memory_space<vmem>>
    %dma_wait3A_242 = arith.constant 0 : i32
    %dma_wait3A_243 = tpu.memref_slice %arg4[%dma_wait3A_237, %dma_wait3A_242] : memref<4096x128xf32, #tpu.memory_space<hbm>> -> memref<1x128xf32, #tpu.memory_space<hbm>>
    %dma_wait3A_244 = tpu.memref_squeeze %dma_wait3A_243 : memref<1x128xf32, #tpu.memory_space<hbm>> -> memref<128xf32, #tpu.memory_space<hbm>>
    %dma_wait3A_245 = tpu.memref_slice %arg10[%dma_wait3A_238] : memref<2x!tpu.dma_semaphore, #tpu.memory_space<semaphore_mem>> -> memref<1x!tpu.dma_semaphore, #tpu.memory_space<semaphore_mem>>
    %dma_wait3A_246 = tpu.memref_squeeze %dma_wait3A_245 : memref<1x!tpu.dma_semaphore, #tpu.memory_space<semaphore_mem>> -> memref<!tpu.dma_semaphore, #tpu.memory_space<semaphore_mem>>
    %dma_wait3A_247 = arith.constant 0 : i32
    %dma_wait3A_248 = tpu.memref_slice %arg4[%dma_wait3A_237, %dma_wait3A_247] : memref<4096x128xf32, #tpu.memory_space<hbm>> -> memref<1x128xf32, #tpu.memory_space<hbm>>
    %dma_wait3A_249 = tpu.memref_squeeze %dma_wait3A_248 : memref<1x128xf32, #tpu.memory_space<hbm>> -> memref<128xf32, #tpu.memory_space<hbm>>
    %dma_wait3A_250 = arith.constant 0 : i32
    %dma_wait3A_251 = tpu.memref_slice %arg7[%dma_wait3A_236, %dma_wait3A_250] : memref<2x128xf32, #tpu.memory_space<vmem>> -> memref<1x128xf32, #tpu.memory_space<vmem>>
    %dma_wait3A_252 = tpu.memref_squeeze %dma_wait3A_251 : memref<1x128xf32, #tpu.memory_space<vmem>> -> memref<128xf32, #tpu.memory_space<vmem>>
    tpu.wait_dma2 semaphore(%dma_wait3A_246 : memref<!tpu.dma_semaphore, #tpu.memory_space<semaphore_mem>>) src(%dma_wait3A_252 : memref<128xf32, #tpu.memory_space<vmem>>) dst(%dma_wait3A_249 : memref<128xf32, #tpu.memory_space<hbm>>)
    return
  }
}

</mosaic_0001>

<sc_bundles>
// kernel: kernel.3.cloned.1.call-start
scs
__scs_entry_jumppad:
0x0: {  	(pc) =	sbr.rel $0x88, $3  }
0x1: {  	(tag) =	ssettag $0x0;
	lr =	simm.s32 $0x1  }
0x2: {  	[smem:$0x3F9F] =	sst lr;
	_ =	strace $0xD0000000  }
0x3: {  	_ = 	snop  }
0x4: {  	_ = 	snop  }
0x5: {  	_ = 	snop  }
0x6: {  	_ = 	snop  }
0x7: {  	_ = 	snop  }
__scs_overlays_trampoline_lowered:
0x8: {  	[smem:$0x3FAE] =	sst s0  }
0x9: {  	[smem:$0x3FAF] =	sst s1  }
0xa: {  	[smem:$0x3FB0] =	sst s2  }
0xb: {  	[smem:$0x3FB1] =	sst s3  }
0xc: {  	[smem:$0x3FB2] =	sst s4  }
0xd: {  	[smem:$0x3FB3] =	sst s5  }
0xe: {  	[smem:$0x3FB4] =	sst s6  }
0xf: {  	[smem:$0x3FB5] =	sst s7  }
0x10: {  	[smem:$0x3FB6] =	sst s8  }
0x11: {  	[smem:$0x3FB7] =	sst s9;
	s0 =	simm.s32 @!p0 $0x0  }
0x12: {  	s1 =	sld [smem:$0x3F9D];
	s0 =	simm.s32 @p0 $0x1  }
0x13: {  	[smem:$0x3FB8] =	sst s0;
	s0 =	simm.s32 @!p1 $0x0  }
0x14: {  	s2 =	sld [smem:$0x3F9C];
	s0 =	simm.s32 @p1 $0x1  }
0x15: {  	[smem:$0x3FB9] =	sst s0;
	s0 =	simm.s32 @!p2 $0x0  }
0x16: {  	s3 =	sld [smem:$0x3FDB];
	s0 =	simm.s32 @p2 $0x1  }
0x17: {  	s4 =	simm.s32 $0x1BF5;
	[smem:$0x3FBB] =	sst s0  }
0x18: {  	s0 =	sld [smem:$0x3F9E];
	_ =	swait.ge [sflag:s4], $0x0  }
0x19: {  	s7 =	sld [smem:$0x3F9F]  }
0x1a: {  	s8 =	sadd.s32 $0xFFFFE003, lr  }
0x1b: {  	s9 =	sadd.s32 $0xFFFFFEF7, lr;
	s5 =	simm.s32 $0xFFFFFFFF;
	p2 =	slt.u32 s8, $0xFFFFF086  }
0x1c: {  	p1 =	slt.u32 s9, $0xF7A;
	s5 =	simm.s32 @!p2 $0x0  }
0x1d: {  	s5 =	simm.s32 @p1 $0x1;
	p0 =	seq.s32 s7, s2  }
0x1e: {  	s7 =	smul.u32 @!p0 $0xF7A, s2;
	p2 =	seq.s32 @!p0 s5, $0x0  }
0x1f: {  	s9 =	smul.u32 $0xF7A, s1;
	s8 =	simm.s32 @!p0 $0x1BF5;
	p2 =	por !p2, p0  }
0x20: {  	[sflag:s8] =	ssyncset.s32 @!p0 $0xFFFFF086;
	s6 =	sadd.s32 @!p0 s3, s7;
	s7 =	simm.s32 @!p0 $0x108  }
0x21: {  	s3 =	sadd.s32 s3, s9;
	s6 =	sadd.s32 @!p0 $0x88, s6;
	s7 =	simm.s32 @p2 $0x1082  }
0x22: {  	[simem:s7], [sflag:s8] =	dma.local @!p0 [hbm:s6], $0xF7A  }
0x23: {  	s9 =	sor.u32 $0xD0000000, s2;
	s6 =	simm.s32 $0x108;
	_ =	swait.ge @!p0 [sflag:s8], $0x0  }
0x24: {  	s3 =	sadd.s32 $0x88, s3;
	s6 =	simm.s32 @!p1 $0x1082;
	[sflag:s4] =	ssyncset.s32 $0xFFFFF086  }
0x25: {  	[simem:s6], [sflag:s4] =	dma.local [hbm:s3], $0xF7A  }
0x26: {  	[smem:$0x3F9F] =	sst s1;
	(tag) =	ssettag s2;
	_ =	strace s9  }
0x27: {  	s1 =	sld [smem:$0x3FAF]  }
0x28: {  	s2 =	sld [smem:$0x3FB0]  }
0x29: {  	s4 =	sld [smem:$0x3FB2]  }
0x2a: {  	p0 =	seq.s32 s5, $0x0;
	s5 =	sld [smem:$0x3FB3]  }
0x2b: {  	s6 =	sld [smem:$0x3FB4]  }
0x2c: {  	s7 =	sld [smem:$0x3FB5]  }
0x2d: {  	s3 =	simm.s32 $0x108;
	s8 =	sld [smem:$0x3FB6]  }
0x2e: {  	s3 =	simm.s32 @!p0 $0x1082;
	s9 =	sld [smem:$0x3FB7]  }
0x2f: {  	lr =	sadd.s32 s0, s3;
	s0 =	sld [smem:$0x3FAE]  }
0x30: {  	s3 =	sld [smem:$0x3FB1]  }
0x31: {  	[smem:$0x3FBA] =	sst s10  }
0x32: {  	s10 =	sld [smem:$0x3FB8];
	_ =	sdelay $0x3  }
0x33: {  	p0 =	seq.s32 s10, $0x1;
	s10 =	sld [smem:$0x3FBA];
	_ =	sdelay $0x3  }
0x34: {  	[smem:$0x3FBA] =	sst s10  }
0x35: {  	s10 =	sld [smem:$0x3FB9];
	_ =	sdelay $0x3  }
0x36: {  	p1 =	seq.s32 s10, $0x1;
	s10 =	sld [smem:$0x3FBA];
	_ =	sdelay $0x3  }
0x37: {  	[smem:$0x3FBA] =	sst s10  }
0x38: {  	s10 =	sld [smem:$0x3FBB]  }
0x39: {  	_ = 	snop;
	(pc) =	sbr.ind lr, $3  }
0x3a: {  	_ = 	snop  }
0x3b: {  	_ = 	snop  }
0x3c: {  	p2 =	seq.s32 s10, $0x1;
	s10 =	sld [smem:$0x3FBA]  }
0x3d: {  	_ =	shalt  }
0x3e: {  	_ =	shalt  }
0x3f: {  	_ =	shalt  }
0x40: {  	_ =	shalt  }
0x41: {  	_ =	shalt  }
0x42: {  	_ =	shalt  }
0x43: {  	_ =	shalt  }
0x44: {  	_ =	shalt  }
0x45: {  	_ =	shalt  }
0x46: {  	_ =	shalt  }
0x47: {  	_ =	shalt  }
0x48: {  	_ =	shalt  }
0x49: {  	_ =	shalt  }
0x4a: {  	_ =	shalt  }
0x4b: {  	_ =	shalt  }
0x4c: {  	_ =	shalt  }
0x4d: {  	_ =	shalt  }
0x4e: {  	_ =	shalt  }
0x4f: {  	_ =	shalt  }
0x50: {  	_ =	shalt  }
0x51: {  	_ =	shalt  }
0x52: {  	_ =	shalt  }
0x53: {  	_ =	shalt  }
0x54: {  	_ =	shalt  }
0x55: {  	_ =	shalt  }
0x56: {  	_ =	shalt  }
0x57: {  	_ =	shalt  }
0x58: {  	_ =	shalt  }
0x59: {  	_ =	shalt  }
0x5a: {  	_ =	shalt  }
0x5b: {  	_ =	shalt  }
0x5c: {  	_ =	shalt  }
0x5d: {  	_ =	shalt  }
0x5e: {  	_ =	shalt  }
0x5f: {  	_ =	shalt  }
0x60: {  	_ =	shalt  }
0x61: {  	_ =	shalt  }
0x62: {  	_ =	shalt  }
0x63: {  	_ =	shalt  }
0x64: {  	_ =	shalt  }
0x65: {  	_ =	shalt  }
0x66: {  	_ =	shalt  }
0x67: {  	_ =	shalt  }
0x68: {  	_ =	shalt  }
0x69: {  	_ =	shalt  }
0x6a: {  	_ =	shalt  }
0x6b: {  	_ =	shalt  }
0x6c: {  	_ =	shalt  }
0x6d: {  	_ =	shalt  }
0x6e: {  	_ =	shalt  }
0x6f: {  	_ =	shalt  }
0x70: {  	_ =	shalt  }
0x71: {  	_ =	shalt  }
0x72: {  	_ =	shalt  }
0x73: {  	_ =	shalt  }
0x74: {  	_ =	shalt  }
0x75: {  	_ =	shalt  }
0x76: {  	_ =	shalt  }
0x77: {  	_ =	shalt  }
0x78: {  	_ =	shalt  }
0x79: {  	_ =	shalt  }
0x7a: {  	_ =	shalt  }
0x7b: {  	_ =	shalt  }
0x7c: {  	_ =	shalt  }
0x7d: {  	_ =	shalt  }
0x7e: {  	_ =	shalt  }
0x7f: {  	_ =	shalt  }
0x80: {  	_ =	shalt  }
0x81: {  	_ =	shalt  }
0x82: {  	_ =	shalt  }
0x83: {  	_ =	shalt  }
0x84: {  	_ =	shalt  }
0x85: {  	_ =	shalt  }
0x86: {  	_ =	shalt  }
0x87: {  	_ =	shalt  }
.Lfunc_end0:
.L_simem_size_0:
called_computation_lowered:
.L_overlay_start_0:
0x88: {  	s2 =	sld [smem:$0x3FD9]  }
0x89: {  	s3 =	sld [smem:$0x3FFE];
	_ =	sdelay $0x1  }
0x8a: {  	s1 =	srdreg.scid  }
0x8b: {  	s0 =	sand.u32 $0x1, s1  }
0x8c: {  	s17 =	sshll.u32 s0, $0xA;
	s2 =	sadd.s32 s3, s2  }
0x8d: {  	s2 =	sadd.s32 s2, s17  }
0x8e: {  	[smem:$0x3FC6] =	sst s2  }
0x8f: {  	_ = 	snop  }
0x90: {  	s2 =	sld [smem:$0x3FC8]  }
0x91: {  	s18 =	sld [smem:$0x3FD0];
	(tm) =	ssettm $0x1  }
0x92: {  	s4 =	sld [smem:$0x3FFB];
	_ =	sdelay $0x3  }
0x93: {  	_ =	strace s4  }
0x94: {  	s4 =	sld [smem:$0x3FFC];
	_ =	sdelay $0x3  }
0x95: {  	_ =	strace s4  }
0x96: {  	s4 =	sld [smem:$0x3FFD];
	_ =	sdelay $0x3  }
0x97: {  	_ =	strace s4  }
0x98: {  	_ =	strace $0x8FFFFFFF  }
0x99: {  	s19 =	sld [smem:$0x3FDB];
	_ =	sdelay $0x1  }
0x9a: {  	s5 =	simm.s32 $_scs_section_size  }
0x9b: {  	s6 =	simm.s32 $_size__tile_overlayer_lowered;
	s7 =	simm.s32 $_tile_overlayer_lowered  }
0x9c: {  	s22 =	simm.s32 $0x1BFF;
	s21 =	sshll.u32 s7, $0x1;
	s4 =	sadd.s32 s5, s19  }
0x9d: {  	s8 =	simm.s32 $0x0;
	s20 =	sshll.u32 s6, $0x1;
	s6 =	sadd.s32 s21, s4  }
0x9e: {  	[timem:s8], [sflag:s22] =	dma.local [hbm:s6], s20  }
0x9f: {  	_ =	swait.ge [sflag:s22], s20  }
0xa0: {  	s5 =	ssub.s32 $0x0, s20;
	[sflag:s22] =	ssyncset.done $0x0  }
0xa1: {  	[sflag:s22] =	ssyncadd.s32 s5;
	_ =	sdelay $0x1  }
0xa2: {  	s23 =	simm.s32 $0x1B8B  }
0xa3: {  	_ =	swait.ge [sflag:s23], $0x1  }
0xa4: {  	[sflag:s23] =	ssyncset.done $0x0  }
0xa5: {  	s25 =	simm.s32 $0x1B8E;
	s24 =	sld [smem:$0x3FFE];
	[sflag:s23] =	ssyncadd.s32 $0xFFFFFFFF  }
0xa6: {  	s26 =	simm.s32 $execute0_lowered;
	[smem:$0x3FD2] =	sst s25  }
0xa7: {  	s6 =	sshll.u32 s26, $0x1;
	_ =	strace $0x80000046;
	[dreg:$0x1] =	wrdreg $0xFFFFFFFF  }
0xa8: {  	s28 =	simm.s32 $_size_execute0_lowered;
	s4 =	sadd.s32 s4, s6;
	[dreg:$0x0] =	wrdreg $0x0  }
0xa9: {  	s6 =	sshll.u32 s28, $0x1;
	[dreg:$0x2] =	wrdreg s4  }
0xaa: {  	[dreg:$0x3] =	wrdreg s6  }
0xab: {  	[dreg:$0x4] =	wrdreg $0xC0  }
0xac: {  	_ =	task [dreg:s8], $0x5FFFF  }
0xad: {  	[dreg:$0x1] =	wrdreg $0xFFFFFFFF  }
0xae: {  	[dreg:$0x0] =	wrdreg $0x60  }
0xaf: {  	[dreg:$0x2] =	wrdreg s24  }
0xb0: {  	[dreg:$0x3] =	wrdreg s2  }
0xb1: {  	[dreg:$0x4] =	wrdreg s18  }
0xb2: {  	[dreg:$0x5] =	wrdreg $0x9  }
0xb3: {  	_ =	task.clear_ibuf [dreg:s8], $0x6FFFF;
	_ =	strace $0x90000046  }
0xb4: {  	s29 =	simm.s32 $0x9;
	_ =	strace $0x80000048  }
0xb5: {  	_ =	swait.ge [sflag:s29], $0x1  }
0xb6: {  	[sflag:s29] =	ssyncadd.s32 $0xFFFFFFFF  }
0xb7: {  	_ =	strace $0x90000048  }
0xb8: {  	_ =	sfence  }
0xb9: {  	s30 =	sld [smem:$0x0];
	_ =	sdelay $0x2  }
0xba: {  	s31 =	sshll.u32 s1, $0xD;
	s1 =	sshrl.u32 s1, $0x2  }
0xbb: {  	s3 =	sand.u32 $0x4000, s31;
	s1 =	sadd.s32 s1, s30  }
0xbc: {  	s0 =	sor.u32 s3, s0;
	s1 =	sshll.u32 s1, $0x11  }
0xbd: {  	s0 =	sor.u32 s1, s0  }
0xbe: {  	s0 =	sadd.s32 $0x8F2B, s0  }
0xbf: {  	[sflag:s0] =	ssyncadd.remote.s32 $0x1  }
0xc0: {  	_ =	sfence.sel $0xFFFF  }
0xc1: {  	[dreg:$0x0] =	wrdreg $0xFFFFFFFF;
	(pc) =	sbr.abs _section_cstart, $3  }
0xc2: {  	[dreg:$0x1] =	wrdreg $0xFFFFFFFF  }
0xc3: {  	_ =	task.clear_ibuf [dreg:s8], $0x2FFFF;
	_ =	strace $0x9FFFFFFF  }
0xc4: {  	(tm) =	ssettm $0x7FFFFFFF  }
0xc5: {  	_ =	shalt  }
tec
execute0_lowered:
.L_overlay_start_1:
0x0: {  	(tag) =	ssettag $0x1  }
0x1: {  	s0 =	rddreg [dreg:$0x0];
	s1 =	srdreg.scid  }
0x2: {  	s2 =	rddreg [dreg:$0x1];
	s4 =	stileid.u32  }
0x3: {  	s3 =	rddreg [dreg:$0x2];
	s17 =	simm.s32 $0x80;
	s19 =	simm.s32 $0x100  }
0x4: {  	s20 =	simm.s32 $0x300;
	s23 =	simm.s32 $0x1;
	s25 =	simm.s32 $0x48  }
0x5: {  	s28 =	simm.s32 $0x2;
	s31 =	simm.s32 $0x3;
	s21 =	simm.s32 $0x9  }
0x6: {  	s22 =	simm.s32 $0xA;
	s24 =	simm.s32 $0x0;
	s1 =	sand.u32 $0x1, s1  }
0x7: {  	s5 =	sshll.u32 s4, $0x8;
	s4 =	simm.s32 $0x0;
	s6 =	sshll.u32 s1, $0x7  }
0x8: {  	s29 =	ssub.s32 $0x2, s1;
	[smem:$0x7FF] =	sst s4;
	s5 =	sor.u32 s6, s5  }
0x9: {  	s6 =	sadd.s32 $0x400, s0;
	s8 =	sshrl.u32 s29, $0x1;
	s30 =	sshll.u32 s5, $0x5  }
0xa: {  	_ =	strace $0x80000047;
	s0 =	ssub.s32 s29, s8;
	s7 =	sadd.s32 s6, s30  }
0xb: {  	s11 =	smax.u32 s0, $0x1;
	s1 =	sadd.s32 $0x10, s7;
	s9 =	sadd.s32 $0x20, s7  }
0xc: {  	s10 =	sadd.s32 $0x30, s7;
	s12 =	sadd.s32 $0x80, s7;
	s13 =	sadd.s32 $0x90, s7  }
0xd: {  	s14 =	sadd.s32 $0xA0, s7;
	s15 =	sadd.s32 $0xB0, s7;
	[dreg:$0x4] =	wrdreg s1  }
.LBB2_1:
0xe: {  	[tilespmem:s4], [sflag:$0x1] =	stream.linear.gather [hbm4b:s7+s4], $0x80, $0x38;
	[tilespmem:$0x19500] =	vst v63  }
0xf: {  	s1 =	simm.s32 $0x200  }
0x10: {  	[tilespmem:s1], [sflag:$0x1] =	stream.linear.gather [hbm4b:s12+s4], $0x80, $0x38;
	[tilespmem:$0x19500] =	vst v63  }
0x11: {  	s0 =	rddreg [dreg:$0x4]  }
0x12: {  	[tilespmem:s17], [sflag:$0x2] =	stream.linear.gather [hbm4b:s0+s4], $0x80, $0x38;
	[tilespmem:$0x19500] =	vst v63  }
0x13: {  	s0 =	simm.s32 $0x280  }
0x14: {  	[tilespmem:s0], [sflag:$0x2] =	stream.linear.gather [hbm4b:s13+s4], $0x80, $0x38;
	[tilespmem:$0x19500] =	vst v63  }
0x15: {  	_ = 	snop  }
0x16: {  	[tilespmem:s19], [sflag:$0x3] =	stream.linear.gather [hbm4b:s9+s4], $0x80, $0x38;
	[tilespmem:$0x19500] =	vst v63  }
0x17: {  	_ = 	snop  }
0x18: {  	[tilespmem:s20], [sflag:$0x3] =	stream.linear.gather [hbm4b:s14+s4], $0x80, $0x38;
	[tilespmem:$0x19500] =	vst v63  }
0x19: {  	s8 =	simm.s32 $0x180  }
0x1a: {  	[tilespmem:s8], [sflag:$0x4] =	stream.linear.gather [hbm4b:s10+s4], $0x80, $0x38;
	[tilespmem:$0x19500] =	vst v63  }
0x1b: {  	s18 =	simm.s32 $0x380  }
0x1c: {  	[tilespmem:s18], [sflag:$0x4] =	stream.linear.gather [hbm4b:s15+s4], $0x80, $0x38;
	[tilespmem:$0x19500] =	vst v63  }
0x1d: {  	_ =	swait.ge [sflag:s23], $0x100  }
0x1e: {  	[sflag:s23] =	ssyncset.done $0x0  }
0x1f: {  	s26 =	simm.s32 $0x400;
	[sflag:s23] =	ssyncadd.s32 $0xFFFFFF00  }
0x20: {  	[tilespmem:s26], [sflag:$0x5] =	stream.indirect.gather [hbm4b:s2+s17], $0x80, s4, s17, $0xb8;
	[tilespmem:$0x19500] =	vst v63  }
0x21: {  	s30 =	simm.s32 $0x4400  }
0x22: {  	[tilespmem:s30], [sflag:$0x5] =	stream.indirect.gather [hbm4b:s2+s25], $0x80, s1, s25, $0xb8;
	[tilespmem:$0x19500] =	vst v63  }
0x23: {  	_ =	swait.ge [sflag:s28], $0x100  }
0x24: {  	[sflag:s28] =	ssyncset.done $0x0  }
0x25: {  	s16 =	simm.s32 $0x6800;
	[sflag:s28] =	ssyncadd.s32 $0xFFFFFF00  }
0x26: {  	[tilespmem:s16], [sflag:$0x6] =	stream.indirect.gather [hbm4b:s2+s17], $0x80, s17, s17, $0xb8;
	[tilespmem:$0x19500] =	vst v63  }
0x27: {  	s18 =	simm.s32 $0xA800  }
0x28: {  	[tilespmem:s18], [sflag:$0x6] =	stream.indirect.gather [hbm4b:s2+s25], $0x80, s0, s25, $0xb8;
	[tilespmem:$0x19500] =	vst v63  }
0x29: {  	_ =	swait.ge [sflag:s31], $0x100  }
0x2a: {  	[sflag:s31] =	ssyncset.done $0x0  }
0x2b: {  	s26 =	simm.s32 $0xCC00;
	[sflag:s31] =	ssyncadd.s32 $0xFFFFFF00  }
0x2c: {  	[tilespmem:s26], [sflag:$0x7] =	stream.indirect.gather [hbm4b:s2+s17], $0x80, s19, s17, $0xb8;
	[tilespmem:$0x19500] =	vst v63  }
0x2d: {  	s29 =	simm.s32 $0x0;
	s30 =	simm.s32 $0x10C00;
	s26 =	simm.s32 $0x0  }
0x2e: {  	[tilespmem:s30], [sflag:$0x7] =	stream.indirect.gather [hbm4b:s2+s25], $0x80, s20, s25, $0xb8;
	[tilespmem:$0x19500] =	vst v63  }
.LBB2_2:
0x2f: {  	p0 =	sgt.u32 s29, $0x7C  }
0x30: {  	s0 =	sadd.s32 @!p0 $0x3, s29  }
0x31: {  	s1 =	sand.u32 @!p0 $0x3, s0  }
0x32: {  	s8 =	sand.u32 $0x3, s29;
	s30 =	sadd.s32 @!p0 $0x1, s1;
	s16 =	smul.u32 @!p0 $0x19000, s1  }
0x33: {  	s18 =	simm.s32 @!p0 $0x80;
	s0 =	sshll.u32 @!p0 s0, $0x7;
	_ =	swait.ge @!p0 [sflag:s30], $0x100  }
0x34: {  	s0 =	sand.u32 @!p0 $0x180, s0;
	[sflag:s30] =	ssyncset.done @!p0 $0x0;
	s16 =	sshrl.u32 @!p0 s16, $0x2  }
0x35: {  	s1 =	sadd.s32 @!p0 $0x5, s1;
	[sflag:s30] =	ssyncadd.s32 @!p0 $0xFFFFFF00;
	s30 =	sadd.s32 @!p0 $0x400, s16  }
0x36: {  	[tilespmem:s30], [sflag:s1] =	stream.indirect.gather @!p0 [hbm4b:s2+s18], $0x80, s0, s18, $0xb8;
	[tilespmem:$0x19500] =	vst v63  }
0x37: {  	s16 =	sadd.s32 @!p0 $0x4400, s16;
	s0 =	sor.u32 @!p0 $0x200, s0;
	s18 =	simm.s32 @!p0 $0x48  }
0x38: {  	[tilespmem:s16], [sflag:s1] =	stream.indirect.gather @!p0 [hbm4b:s2+s18], $0x80, s0, s18, $0xb8;
	[tilespmem:$0x19500] =	vst v63  }
0x39: {  	s18 =	sadd.s32 $0x5, s8;
	s16 =	sand.u32 $0x3, s26;
	p0 =	sgt.u32 s29, $0x7B  }
0x3a: {  	_ =	swait.ge [sflag:s18], $0x4000;
	s1 =	smul.u32 $0x19000, s16;
	s16 =	sadd.s32 @!p0 $0x4, s29  }
0x3b: {  	s8 =	sadd.s32 @!p0 $0x1, s8;
	[sflag:s18] =	ssyncset.done $0x0;
	s0 =	sadd.s32 @!p0 s5, s16  }
0x3c: {  	s16 =	sshll.u32 @!p0 s16, $0x4;
	[sflag:s18] =	ssyncadd.s32 $0xFFFFC000;
	s1 =	sshrl.u32 s1, $0x2  }
0x3d: {  	s0 =	sshll.u32 @!p0 s0, $0x5;
	s16 =	sand.u32 @!p0 $0x70, s16;
	_ =	swait.ge [sflag:s18], $0x2400  }
0x3e: {  	s1 =	sadd.s32 $0x400, s1;
	s0 =	sand.u32 @!p0 $0x3FF00, s0;
	[sflag:s18] =	ssyncset.done $0x0  }
0x3f: {  	s16 =	sadd.s32 @!p0 s6, s16;
	v0 =	vmov s1;
	[sflag:s18] =	ssyncadd.s32 $0xFFFFDC00;
	s18 =	sshll.u32 @!p0 s29, $0x7  }
0x40: {  	s0 =	sadd.s32 @!p0 s0, s16;
	s16 =	simm.s32 @!p0 $0x0;
	s18 =	sand.u32 @!p0 $0x180, s18  }
0x41: {  	[tilespmem:s18], [sflag:s8] =	stream.linear.gather @!p0 [hbm4b:s0+s16], $0x80, $0x38;
	[tilespmem:$0x19500] =	vst v63  }
0x42: {  	s0 =	sadd.s32 @!p0 $0x80, s0;
	s1 =	sor.u32 @!p0 $0x200, s18;
	s18 =	simm.s32 $0x0  }
0x43: {  	[tilespmem:s1], [sflag:s8] =	stream.linear.gather @!p0 [hbm4b:s0+s16], $0x80, $0x38;
	[tilespmem:$0x19500] =	vst v63  }
0x44: {  	v1 =	vld.idx.msk [tilespmem:v0+s18+$0x70 ss:$0x1], $0xffff  }
0x45: {  	v2 =	vld.idx.msk [tilespmem:v0+s18+$0xF0 ss:$0x1], $0xffff  }
0x46: {  	v3 =	vld.idx.msk [tilespmem:v0+s18+$0x170 ss:$0x1], $0xffff  }
0x47: {  	v4 =	vld.idx.msk [tilespmem:v0+s18+$0x1F0 ss:$0x1], $0xffff  }
0x48: {  	v5 =	vld.idx.msk [tilespmem:v0+s18+$0x270 ss:$0x1], $0xffff  }
0x49: {  	v6 =	vld.idx.msk [tilespmem:v0+s18+$0x2F0 ss:$0x1], $0xffff  }
0x4a: {  	v7 =	vld.idx.msk [tilespmem:v0+s18+$0x370 ss:$0x1], $0xffff  }
0x4b: {  	v8 =	vld.idx.msk [tilespmem:v0+s18+$0x3F0 ss:$0x1], $0xffff  }
0x4c: {  	v9 =	vld.idx.msk [tilespmem:v0+s18+$0x0 ss:$0x1], $0xffff  }
0x4d: {  	v10 =	vld.idx.msk [tilespmem:v0+s18+$0x80 ss:$0x1], $0xffff  }
0x4e: {  	v11 =	vld.idx.msk [tilespmem:v0+s18+$0x100 ss:$0x1], $0xffff  }
0x4f: {  	v12 =	vld.idx.msk [tilespmem:v0+s18+$0x180 ss:$0x1], $0xffff  }
0x50: {  	v13 =	vld.idx.msk [tilespmem:v0+s18+$0x200 ss:$0x1], $0xffff  }
0x51: {  	v14 =	vld.idx.msk [tilespmem:v0+s18+$0x280 ss:$0x1], $0xffff  }
0x52: {  	v15 =	vld.idx.msk [tilespmem:v0+s18+$0x300 ss:$0x1], $0xffff  }
0x53: {  	v16 =	vld.idx.msk [tilespmem:v0+s18+$0x380 ss:$0x1], $0xffff  }
0x54: {  	v17 =	vld.idx.msk [tilespmem:v0+s18+$0x10 ss:$0x1], $0xffff  }
0x55: {  	v18 =	vld.idx.msk [tilespmem:v0+s18+$0x90 ss:$0x1], $0xffff  }
0x56: {  	v19 =	vld.idx.msk [tilespmem:v0+s18+$0x110 ss:$0x1], $0xffff  }
0x57: {  	v20 =	vld.idx.msk [tilespmem:v0+s18+$0x190 ss:$0x1], $0xffff  }
0x58: {  	v21 =	vld.idx.msk [tilespmem:v0+s18+$0x210 ss:$0x1], $0xffff  }
0x59: {  	v22 =	vld.idx.msk [tilespmem:v0+s18+$0x290 ss:$0x1], $0xffff  }
0x5a: {  	v23 =	vld.idx.msk [tilespmem:v0+s18+$0x310 ss:$0x1], $0xffff  }
0x5b: {  	v24 =	vld.idx.msk [tilespmem:v0+s18+$0x390 ss:$0x1], $0xffff  }
0x5c: {  	v25 =	vld.idx.msk [tilespmem:v0+s18+$0x20 ss:$0x1], $0xffff  }
0x5d: {  	v26 =	vld.idx.msk [tilespmem:v0+s18+$0xA0 ss:$0x1], $0xffff  }
0x5e: {  	v27 =	vld.idx.msk [tilespmem:v0+s18+$0x120 ss:$0x1], $0xffff  }
0x5f: {  	v28 =	vld.idx.msk [tilespmem:v0+s18+$0x1A0 ss:$0x1], $0xffff  }
0x60: {  	v29 =	vld.idx.msk [tilespmem:v0+s18+$0x220 ss:$0x1], $0xffff  }
0x61: {  	v30 =	vld.idx.msk [tilespmem:v0+s18+$0x2A0 ss:$0x1], $0xffff  }
0x62: {  	v31 =	vld.idx.msk [tilespmem:v0+s18+$0x320 ss:$0x1], $0xffff  }
0x63: {  	v32 =	vld.idx.msk [tilespmem:v0+s18+$0x3A0 ss:$0x1], $0xffff  }
0x64: {  	v33 =	vld.idx.msk [tilespmem:v0+s18+$0x30 ss:$0x1], $0xffff  }
0x65: {  	v34 =	vld.idx.msk [tilespmem:v0+s18+$0xB0 ss:$0x1], $0xffff  }
0x66: {  	v35 =	vld.idx.msk [tilespmem:v0+s18+$0x130 ss:$0x1], $0xffff  }
0x67: {  	v36 =	vld.idx.msk [tilespmem:v0+s18+$0x1B0 ss:$0x1], $0xffff  }
0x68: {  	v37 =	vld.idx.msk [tilespmem:v0+s18+$0x230 ss:$0x1], $0xffff  }
0x69: {  	v38 =	vld.idx.msk [tilespmem:v0+s18+$0x2B0 ss:$0x1], $0xffff  }
0x6a: {  	v39 =	vld.idx.msk [tilespmem:v0+s18+$0x330 ss:$0x1], $0xffff  }
0x6b: {  	v55 =	vld.idx.msk [tilespmem:v0+s18+$0x250 ss:$0x1], $0xffff  }
0x6c: {  	v58 =	vld.idx.msk [tilespmem:v0+s18+$0x2D0 ss:$0x1], $0xffff;
	v1 =	vadd.f32 v2, v1  }
0x6d: {  	v60 =	vld.idx.msk [tilespmem:v0+s18+$0x350 ss:$0x1], $0xffff;
	v2 =	vadd.f32 v4, v3;
	v4 =	vadd.f32 v6, v5  }
0x6e: {  	v61 =	vld.idx.msk [tilespmem:v0+s18+$0x60 ss:$0x1], $0xffff;
	v5 =	vadd.f32 v8, v7;
	v56 =	vadd.f32 v34, v33  }
0x6f: {  	v3 =	vld.idx.msk [tilespmem:v0+s18+$0x3B0 ss:$0x1], $0xffff;
	v57 =	vadd.f32 v36, v35;
	v59 =	vadd.f32 v38, v37  }
0x70: {  	v6 =	vld.idx.msk [tilespmem:v0+s18+$0x40 ss:$0x1], $0xffff;
	v1 =	vadd.f32 v2, v1;
	v2 =	vadd.f32 v5, v4  }
0x71: {  	v7 =	vld.idx.msk [tilespmem:v0+s18+$0xC0 ss:$0x1], $0xffff;
	v5 =	vadd.f32 v10, v9;
	v9 =	vadd.f32 v12, v11  }
0x72: {  	v8 =	vld.idx.msk [tilespmem:v0+s18+$0x1C0 ss:$0x1], $0xffff;
	v10 =	vadd.f32 v14, v13;
	v11 =	vadd.f32 v16, v15  }
0x73: {  	v4 =	vld.idx.msk [tilespmem:v0+s18+$0x140 ss:$0x1], $0xffff;
	v13 =	vadd.f32 v18, v17;
	v14 =	vadd.f32 v20, v19  }
0x74: {  	v12 =	vld.idx.msk [tilespmem:v0+s18+$0x2C0 ss:$0x1], $0xffff;
	v16 =	vadd.f32 v22, v21;
	v17 =	vadd.f32 v24, v23  }
0x75: {  	v15 =	vld.idx.msk [tilespmem:v0+s18+$0x340 ss:$0x1], $0xffff;
	v19 =	vadd.f32 v30, v29;
	v20 =	vadd.f32 v32, v31  }
0x76: {  	v18 =	vld.idx.msk [tilespmem:v0+s18+$0x3C0 ss:$0x1], $0xffff;
	v1 =	vadd.f32 v2, v1;
	v5 =	vadd.f32 v9, v5  }
0x77: {  	v2 =	vld.idx.msk [tilespmem:v0+s18+$0x240 ss:$0x1], $0xffff;
	v9 =	vadd.f32 v11, v10;
	v11 =	vadd.f32 v14, v13  }
0x78: {  	v10 =	vld.idx.msk [tilespmem:v0+s18+$0x50 ss:$0x1], $0xffff;
	v13 =	vadd.f32 v17, v16;
	v3 =	vadd.f32 v3, v39  }
0x79: {  	v14 =	vld.idx.msk [tilespmem:v0+s18+$0xD0 ss:$0x1], $0xffff;
	v6 =	vadd.f32 v7, v6;
	v5 =	vadd.f32 v9, v5  }
0x7a: {  	v16 =	vld.idx.msk [tilespmem:v0+s18+$0x150 ss:$0x1], $0xffff;
	v9 =	vadd.f32 v26, v25;
	v11 =	vadd.f32 v13, v11  }
0x7b: {  	v17 =	vld.idx.msk [tilespmem:v0+s18+$0x1D0 ss:$0x1], $0xffff;
	v13 =	vadd.f32 v28, v27;
	v3 =	vadd.f32 v3, v59  }
0x7c: {  	v7 =	vld.idx.msk [tilespmem:v0+s18+$0xE0 ss:$0x1], $0xffff;
	v4 =	vadd.f32 v8, v4;
	v8 =	vadd.f32 v18, v15  }
0x7d: {  	v15 =	vld.idx.msk [tilespmem:v0+s18+$0x1E0 ss:$0x1], $0xffff;
	v9 =	vadd.f32 v13, v9;
	v13 =	vadd.f32 v20, v19  }
0x7e: {  	v18 =	vld.idx.msk [tilespmem:v0+s18+$0x260 ss:$0x1], $0xffff;
	v20 =	vadd.f32 v57, v56;
	v2 =	vadd.f32 v12, v2  }
0x7f: {  	v19 =	vld.idx.msk [tilespmem:v0+s18+$0x3D0 ss:$0x1], $0xffff;
	v4 =	vadd.f32 v4, v6;
	v6 =	vadd.f32 v14, v10  }
0x80: {  	v12 =	vld.idx.msk [tilespmem:v0+s18+$0x160 ss:$0x1], $0xffff;
	v10 =	vadd.f32 v58, v55;
	v13 =	vadd.f32 v13, v9  }
0x81: {  	v14 =	vld.idx.msk [tilespmem:v0+s18+$0x2E0 ss:$0x1], $0xffff;
	v3 =	vadd.f32 v3, v20;
	v9 =	vadd.f32 v17, v16  }
0x82: {  	s1 =	simm.s32 $0x400;
	v20 =	vld.idx.msk [tilespmem:v0+s18+$0x3E0 ss:$0x1], $0xffff;
	v62 =	vadd.f32 v7, v61;
	v2 =	vadd.f32 v8, v2;
	v8 =	vimm.f32 $0.0e+00  }
0x83: {  	v1 =	vadd.f32 v1, v8;
	v7 =	vadd.f32 v11, v8;
	v11 =	vld.idx.msk [tilespmem:v0+s1+$0x170 ss:$0x1], $0xffff  }
0x84: {  	v16 =	vadd.f32 v19, v60;
	v19 =	vld.idx.msk [tilespmem:v0+s18+$0x360 ss:$0x1], $0xffff;
	v4 =	vadd.f32 v2, v4  }
0x85: {  	v2 =	vadd.f32 v9, v6;
	v9 =	vld.idx.msk [tilespmem:v0+s1+$0x70 ss:$0x1], $0xffff;
	v6 =	vadd.f32 v5, v8  }
0x86: {  	v5 =	vadd.f32 v13, v8;
	v13 =	vld.idx.msk [tilespmem:v0+s1+$0x270 ss:$0x1], $0xffff;
	v16 =	vadd.f32 v16, v10  }
0x87: {  	v15 =	vadd.f32 v15, v12;
	v12 =	vld.idx.msk [tilespmem:v0+s1+$0x1F0 ss:$0x1], $0xffff;
	v17 =	vadd.f32 v14, v18  }
0x88: {  	v14 =	vld.idx.msk [tilespmem:v0+s1+$0x2F0 ss:$0x1], $0xffff;
	v63 =	vadd.f32 v16, v2;
	v2 =	vadd.f32 v3, v8  }
0x89: {  	v10 =	vld.idx.msk [tilespmem:v0+s1+$0xF0 ss:$0x1], $0xffff;
	v3 =	vadd.f32 v4, v8;
	v18 =	vadd.f32 v20, v19  }
0x8a: {  	s30 =	sand.u32 $0x1, s29;
	s0 =	simm.s32 $0x2000;
	v16 =	vadd.f32 v15, v62;
	v15 =	vld.idx.msk [tilespmem:v0+s1+$0x370 ss:$0x1], $0xffff;
	v4 =	vadd.f32 v63, v8  }
.LBB2_3:
0x8b: {  	p0 =	sne.s32 s0, $0x18000;
	v19 =	vld.idx.msk [tilespmem:v0+s1+$0x3F0 ss:$0x1], $0xffff;
	v17 =	vadd.f32 v18, v17  }
0x8c: {  	v18 =	vld.idx.msk [tilespmem:v0+s1+$0x0 ss:$0x1], $0xffff  }
0x8d: {  	v20 =	vld.idx.msk [tilespmem:v0+s1+$0x80 ss:$0x1], $0xffff;
	v16 =	vadd.f32 v17, v16  }
0x8e: {  	v17 =	vld.idx.msk [tilespmem:v0+s1+$0x100 ss:$0x1], $0xffff  }
0x8f: {  	v21 =	vld.idx.msk [tilespmem:v0+s1+$0x180 ss:$0x1], $0xffff;
	v8 =	vadd.f32 v16, v8  }
0x90: {  	v9 =	vadd.f32 v10, v9;
	v10 =	vadd.f32 v12, v11;
	v16 =	vld.idx.msk [tilespmem:v0+s1+$0x200 ss:$0x1], $0xffff  }
0x91: {  	v12 =	vadd.f32 v14, v13;
	v13 =	vadd.f32 v19, v15;
	v11 =	vld.idx.msk [tilespmem:v0+s1+$0x280 ss:$0x1], $0xffff  }
0x92: {  	v14 =	vld.idx.msk [tilespmem:v0+s1+$0x300 ss:$0x1], $0xffff  }
0x93: {  	v9 =	vadd.f32 v10, v9;
	v10 =	vadd.f32 v13, v12;
	v15 =	vld.idx.msk [tilespmem:v0+s1+$0x380 ss:$0x1], $0xffff  }
0x94: {  	v12 =	vadd.f32 v20, v18;
	v13 =	vld.idx.msk [tilespmem:v0+s1+$0x10 ss:$0x1], $0xffff  }
0x95: {  	v17 =	vadd.f32 v21, v17;
	v9 =	vadd.f32 v10, v9;
	v18 =	vld.idx.msk [tilespmem:v0+s1+$0x90 ss:$0x1], $0xffff  }
0x96: {  	v10 =	vld.idx.msk [tilespmem:v0+s1+$0x110 ss:$0x1], $0xffff  }
0x97: {  	v11 =	vadd.f32 v11, v16;
	v1 =	vadd.f32 v9, v1;
	v16 =	vld.idx.msk [tilespmem:v0+s1+$0x190 ss:$0x1], $0xffff  }
0x98: {  	v9 =	vadd.f32 v17, v12;
	v12 =	vld.idx.msk [tilespmem:v0+s1+$0x210 ss:$0x1], $0xffff  }
0x99: {  	v14 =	vadd.f32 v15, v14;
	v15 =	vld.idx.msk [tilespmem:v0+s1+$0x290 ss:$0x1], $0xffff  }
0x9a: {  	v17 =	vld.idx.msk [tilespmem:v0+s1+$0x310 ss:$0x1], $0xffff  }
0x9b: {  	v11 =	vadd.f32 v14, v11;
	v13 =	vadd.f32 v18, v13;
	v14 =	vld.idx.msk [tilespmem:v0+s1+$0x390 ss:$0x1], $0xffff  }
0x9c: {  	v18 =	vld.idx.msk [tilespmem:v0+s1+$0x20 ss:$0x1], $0xffff  }
0x9d: {  	v9 =	vadd.f32 v11, v9;
	v10 =	vadd.f32 v16, v10;
	v11 =	vld.idx.msk [tilespmem:v0+s1+$0xA0 ss:$0x1], $0xffff  }
0x9e: {  	v16 =	vld.idx.msk [tilespmem:v0+s1+$0x120 ss:$0x1], $0xffff  }
0x9f: {  	v12 =	vadd.f32 v15, v12;
	v10 =	vadd.f32 v10, v13;
	v13 =	vld.idx.msk [tilespmem:v0+s1+$0x1A0 ss:$0x1], $0xffff  }
0xa0: {  	v6 =	vadd.f32 v9, v6;
	v9 =	vld.idx.msk [tilespmem:v0+s1+$0x220 ss:$0x1], $0xffff  }
0xa1: {  	v14 =	vadd.f32 v14, v17;
	v15 =	vld.idx.msk [tilespmem:v0+s1+$0x2A0 ss:$0x1], $0xffff  }
0xa2: {  	v17 =	vld.idx.msk [tilespmem:v0+s1+$0x320 ss:$0x1], $0xffff  }
0xa3: {  	v12 =	vadd.f32 v14, v12;
	v11 =	vadd.f32 v11, v18;
	v14 =	vld.idx.msk [tilespmem:v0+s1+$0x3A0 ss:$0x1], $0xffff  }
0xa4: {  	v18 =	vld.idx.msk [tilespmem:v0+s1+$0x30 ss:$0x1], $0xffff  }
0xa5: {  	v10 =	vadd.f32 v12, v10;
	v12 =	vadd.f32 v13, v16;
	v13 =	vld.idx.msk [tilespmem:v0+s1+$0xB0 ss:$0x1], $0xffff  }
0xa6: {  	v16 =	vld.idx.msk [tilespmem:v0+s1+$0x130 ss:$0x1], $0xffff  }
0xa7: {  	v9 =	vadd.f32 v15, v9;
	v11 =	vadd.f32 v12, v11;
	v12 =	vld.idx.msk [tilespmem:v0+s1+$0x1B0 ss:$0x1], $0xffff  }
0xa8: {  	v7 =	vadd.f32 v10, v7;
	v10 =	vld.idx.msk [tilespmem:v0+s1+$0x230 ss:$0x1], $0xffff  }
0xa9: {  	v14 =	vadd.f32 v14, v17;
	v15 =	vld.idx.msk [tilespmem:v0+s1+$0x2B0 ss:$0x1], $0xffff  }
0xaa: {  	v17 =	vld.idx.msk [tilespmem:v0+s1+$0x330 ss:$0x1], $0xffff  }
0xab: {  	v9 =	vadd.f32 v14, v9;
	v13 =	vadd.f32 v13, v18;
	v14 =	vld.idx.msk [tilespmem:v0+s1+$0x3B0 ss:$0x1], $0xffff  }
0xac: {  	v18 =	vld.idx.msk [tilespmem:v0+s1+$0x40 ss:$0x1], $0xffff  }
0xad: {  	v9 =	vadd.f32 v9, v11;
	v11 =	vadd.f32 v12, v16;
	v12 =	vld.idx.msk [tilespmem:v0+s1+$0xC0 ss:$0x1], $0xffff  }
0xae: {  	v16 =	vld.idx.msk [tilespmem:v0+s1+$0x140 ss:$0x1], $0xffff  }
0xaf: {  	v10 =	vadd.f32 v15, v10;
	v11 =	vadd.f32 v11, v13;
	v13 =	vld.idx.msk [tilespmem:v0+s1+$0x1C0 ss:$0x1], $0xffff  }
0xb0: {  	v5 =	vadd.f32 v9, v5;
	v9 =	vld.idx.msk [tilespmem:v0+s1+$0x240 ss:$0x1], $0xffff  }
0xb1: {  	v14 =	vadd.f32 v14, v17;
	v15 =	vld.idx.msk [tilespmem:v0+s1+$0x2C0 ss:$0x1], $0xffff  }
0xb2: {  	v17 =	vld.idx.msk [tilespmem:v0+s1+$0x340 ss:$0x1], $0xffff  }
0xb3: {  	v10 =	vadd.f32 v14, v10;
	v12 =	vadd.f32 v12, v18;
	v14 =	vld.idx.msk [tilespmem:v0+s1+$0x3C0 ss:$0x1], $0xffff  }
0xb4: {  	v18 =	vld.idx.msk [tilespmem:v0+s1+$0x50 ss:$0x1], $0xffff  }
0xb5: {  	v10 =	vadd.f32 v10, v11;
	v11 =	vadd.f32 v13, v16;
	v13 =	vld.idx.msk [tilespmem:v0+s1+$0xD0 ss:$0x1], $0xffff  }
0xb6: {  	v16 =	vld.idx.msk [tilespmem:v0+s1+$0x150 ss:$0x1], $0xffff  }
0xb7: {  	v9 =	vadd.f32 v15, v9;
	v11 =	vadd.f32 v11, v12;
	v12 =	vld.idx.msk [tilespmem:v0+s1+$0x1D0 ss:$0x1], $0xffff  }
0xb8: {  	v2 =	vadd.f32 v10, v2;
	v10 =	vld.idx.msk [tilespmem:v0+s1+$0x250 ss:$0x1], $0xffff  }
0xb9: {  	v14 =	vadd.f32 v14, v17;
	v15 =	vld.idx.msk [tilespmem:v0+s1+$0x2D0 ss:$0x1], $0xffff  }
0xba: {  	v17 =	vld.idx.msk [tilespmem:v0+s1+$0x350 ss:$0x1], $0xffff  }
0xbb: {  	v9 =	vadd.f32 v14, v9;
	v13 =	vadd.f32 v13, v18;
	v14 =	vld.idx.msk [tilespmem:v0+s1+$0x3D0 ss:$0x1], $0xffff  }
0xbc: {  	v18 =	vld.idx.msk [tilespmem:v0+s1+$0x60 ss:$0x1], $0xffff  }
0xbd: {  	v9 =	vadd.f32 v9, v11;
	v11 =	vadd.f32 v12, v16;
	v12 =	vld.idx.msk [tilespmem:v0+s1+$0xE0 ss:$0x1], $0xffff  }
0xbe: {  	v16 =	vld.idx.msk [tilespmem:v0+s1+$0x160 ss:$0x1], $0xffff  }
0xbf: {  	v10 =	vadd.f32 v15, v10;
	v11 =	vadd.f32 v11, v13;
	v13 =	vld.idx.msk [tilespmem:v0+s1+$0x1E0 ss:$0x1], $0xffff  }
0xc0: {  	v3 =	vadd.f32 v9, v3;
	v15 =	vld.idx.msk [tilespmem:v0+s1+$0x260 ss:$0x1], $0xffff  }
0xc1: {  	v9 =	vadd.f32 v14, v17;
	v14 =	vld.idx.msk [tilespmem:v0+s1+$0x2E0 ss:$0x1], $0xffff  }
0xc2: {  	v19 =	vld.idx.msk [tilespmem:v0+s1+$0x360 ss:$0x1], $0xffff  }
0xc3: {  	v17 =	vadd.f32 v9, v10;
	v18 =	vadd.f32 v12, v18;
	v20 =	vld.idx.msk [tilespmem:v0+s1+$0x3E0 ss:$0x1], $0xffff;
	s1 =	sshra.s32 s0, $0x2  }
0xc4: {  	v9 =	vld.idx.msk [tilespmem:v0+s1+$0x70 ss:$0x1], $0xffff  }
0xc5: {  	v21 =	vadd.f32 v17, v11;
	v13 =	vadd.f32 v13, v16;
	v10 =	vld.idx.msk [tilespmem:v0+s1+$0xF0 ss:$0x1], $0xffff  }
.Ltmp0:
0xc6: {  	v11 =	vld.idx.msk [tilespmem:v0+s1+$0x170 ss:$0x1], $0xffff;
	(pc) =	sbr.rel @p0 .LBB2_3-.Ltmp0, $4  }
0xc7: {  	v17 =	vadd.f32 v14, v15;
	v16 =	vadd.f32 v13, v18;
	v12 =	vld.idx.msk [tilespmem:v0+s1+$0x1F0 ss:$0x1], $0xffff  }
0xc8: {  	v4 =	vadd.f32 v21, v4;
	v13 =	vld.idx.msk [tilespmem:v0+s1+$0x270 ss:$0x1], $0xffff  }
0xc9: {  	v18 =	vadd.f32 v20, v19;
	v14 =	vld.idx.msk [tilespmem:v0+s1+$0x2F0 ss:$0x1], $0xffff  }
0xca: {  	s0 =	sadd.s32 $0x1000, s0;
	v15 =	vld.idx.msk [tilespmem:v0+s1+$0x370 ss:$0x1], $0xffff  }
0xcb: {  	_ =	sdelay $0x3  }
0xcc: {  	v19 =	vld.idx.msk [tilespmem:v0+s1+$0x3F0 ss:$0x1], $0xffff  }
0xcd: {  	v20 =	vld.idx.msk [tilespmem:v0+s1+$0x0 ss:$0x1], $0xffff  }
0xce: {  	v21 =	vld.idx.msk [tilespmem:v0+s1+$0x80 ss:$0x1], $0xffff  }
0xcf: {  	v22 =	vld.idx.msk [tilespmem:v0+s1+$0x100 ss:$0x1], $0xffff  }
0xd0: {  	v23 =	vld.idx.msk [tilespmem:v0+s1+$0x180 ss:$0x1], $0xffff  }
0xd1: {  	v24 =	vld.idx.msk [tilespmem:v0+s1+$0x200 ss:$0x1], $0xffff  }
0xd2: {  	v25 =	vld.idx.msk [tilespmem:v0+s1+$0x280 ss:$0x1], $0xffff  }
0xd3: {  	v26 =	vld.idx.msk [tilespmem:v0+s1+$0x300 ss:$0x1], $0xffff  }
0xd4: {  	v27 =	vld.idx.msk [tilespmem:v0+s1+$0x380 ss:$0x1], $0xffff  }
0xd5: {  	v28 =	vld.idx.msk [tilespmem:v0+s1+$0x10 ss:$0x1], $0xffff  }
0xd6: {  	v29 =	vld.idx.msk [tilespmem:v0+s1+$0x90 ss:$0x1], $0xffff  }
0xd7: {  	v30 =	vld.idx.msk [tilespmem:v0+s1+$0x110 ss:$0x1], $0xffff  }
0xd8: {  	v31 =	vld.idx.msk [tilespmem:v0+s1+$0x190 ss:$0x1], $0xffff  }
0xd9: {  	v32 =	vld.idx.msk [tilespmem:v0+s1+$0x210 ss:$0x1], $0xffff  }
0xda: {  	v33 =	vld.idx.msk [tilespmem:v0+s1+$0x290 ss:$0x1], $0xffff  }
0xdb: {  	v34 =	vld.idx.msk [tilespmem:v0+s1+$0x310 ss:$0x1], $0xffff  }
0xdc: {  	v35 =	vld.idx.msk [tilespmem:v0+s1+$0x390 ss:$0x1], $0xffff  }
0xdd: {  	v36 =	vld.idx.msk [tilespmem:v0+s1+$0x20 ss:$0x1], $0xffff  }
0xde: {  	v37 =	vld.idx.msk [tilespmem:v0+s1+$0xA0 ss:$0x1], $0xffff  }
0xdf: {  	v38 =	vld.idx.msk [tilespmem:v0+s1+$0x120 ss:$0x1], $0xffff  }
0xe0: {  	v39 =	vld.idx.msk [tilespmem:v0+s1+$0x1A0 ss:$0x1], $0xffff  }
0xe1: {  	v40 =	vld.idx.msk [tilespmem:v0+s1+$0x220 ss:$0x1], $0xffff  }
0xe2: {  	v41 =	vld.idx.msk [tilespmem:v0+s1+$0x2A0 ss:$0x1], $0xffff  }
0xe3: {  	v42 =	vld.idx.msk [tilespmem:v0+s1+$0x320 ss:$0x1], $0xffff  }
0xe4: {  	v43 =	vld.idx.msk [tilespmem:v0+s1+$0x3A0 ss:$0x1], $0xffff  }
0xe5: {  	v44 =	vld.idx.msk [tilespmem:v0+s1+$0x30 ss:$0x1], $0xffff  }
0xe6: {  	v45 =	vld.idx.msk [tilespmem:v0+s1+$0xB0 ss:$0x1], $0xffff  }
0xe7: {  	v46 =	vld.idx.msk [tilespmem:v0+s1+$0x130 ss:$0x1], $0xffff  }
0xe8: {  	v47 =	vld.idx.msk [tilespmem:v0+s1+$0x1B0 ss:$0x1], $0xffff  }
0xe9: {  	v48 =	vld.idx.msk [tilespmem:v0+s1+$0x230 ss:$0x1], $0xffff  }
0xea: {  	v49 =	vld.idx.msk [tilespmem:v0+s1+$0x2B0 ss:$0x1], $0xffff  }
0xeb: {  	v50 =	vld.idx.msk [tilespmem:v0+s1+$0x330 ss:$0x1], $0xffff  }
0xec: {  	v17 =	vadd.f32 v18, v17;
	v18 =	vld.idx.msk [tilespmem:v0+s1+$0x3B0 ss:$0x1], $0xffff  }
0xed: {  	v51 =	vld.idx.msk [tilespmem:v0+s1+$0x40 ss:$0x1], $0xffff  }
0xee: {  	v56 =	vadd.f32 v12, v11;
	v11 =	vld.idx.msk [tilespmem:v0+s1+$0x140 ss:$0x1], $0xffff  }
0xef: {  	v12 =	vld.idx.msk [tilespmem:v0+s1+$0x2C0 ss:$0x1], $0xffff  }
0xf0: {  	v9 =	vadd.f32 v10, v9;
	v16 =	vadd.f32 v17, v16;
	v17 =	vld.idx.msk [tilespmem:v0+s1+$0xC0 ss:$0x1], $0xffff  }
0xf1: {  	v57 =	vadd.f32 v14, v13;
	v14 =	vld.idx.msk [tilespmem:v0+s1+$0x1C0 ss:$0x1], $0xffff  }
0xf2: {  	v9 =	vadd.f32 v56, v9;
	v56 =	vld.idx.msk [tilespmem:v0+s1+$0x150 ss:$0x1], $0xffff;
	v8 =	vadd.f32 v16, v8  }
0xf3: {  	v58 =	vadd.f32 v19, v15;
	v15 =	vld.idx.msk [tilespmem:v0+s1+$0x240 ss:$0x1], $0xffff;
	v59 =	vadd.f32 v21, v20  }
0xf4: {  	v60 =	vadd.f32 v23, v22;
	v19 =	vld.idx.msk [tilespmem:v0+s1+$0x340 ss:$0x1], $0xffff;
	v61 =	vadd.f32 v25, v24  }
0xf5: {  	v62 =	vadd.f32 v27, v26;
	v22 =	vld.idx.msk [tilespmem:v0+s1+$0x3C0 ss:$0x1], $0xffff;
	v63 =	vadd.f32 v29, v28  }
0xf6: {  	v52 =	vadd.f32 v31, v30;
	v25 =	vld.idx.msk [tilespmem:v0+s1+$0x50 ss:$0x1], $0xffff;
	v53 =	vadd.f32 v33, v32  }
0xf7: {  	v54 =	vadd.f32 v35, v34;
	v28 =	vld.idx.msk [tilespmem:v0+s1+$0xD0 ss:$0x1], $0xffff;
	v18 =	vadd.f32 v18, v50  }
0xf8: {  	v10 =	vadd.f32 v58, v57;
	v13 =	vadd.f32 v60, v59;
	v59 =	vld.idx.msk [tilespmem:v0+s1+$0x1D0 ss:$0x1], $0xffff  }
0xf9: {  	v55 =	vadd.f32 v62, v61;
	v57 =	vadd.f32 v52, v63;
	v61 =	vld.idx.msk [tilespmem:v0+s1+$0x250 ss:$0x1], $0xffff  }
0xfa: {  	v58 =	vadd.f32 v54, v53;
	v60 =	vadd.f32 v37, v36;
	v63 =	vld.idx.msk [tilespmem:v0+s1+$0x2D0 ss:$0x1], $0xffff  }
0xfb: {  	v62 =	vadd.f32 v39, v38;
	v36 =	vadd.f32 v41, v40;
	v38 =	vld.idx.msk [tilespmem:v0+s1+$0x350 ss:$0x1], $0xffff  }
0xfc: {  	v37 =	vadd.f32 v43, v42;
	v40 =	vld.idx.msk [tilespmem:v0+s1+$0x3D0 ss:$0x1], $0xffff;
	v43 =	vadd.f32 v45, v44  }
0xfd: {  	v42 =	vld.idx.msk [tilespmem:v0+s1+$0x60 ss:$0x1], $0xffff;
	v44 =	vadd.f32 v47, v46;
	v46 =	vadd.f32 v49, v48  }
0xfe: {  	v45 =	vld.idx.msk [tilespmem:v0+s1+$0xE0 ss:$0x1], $0xffff;
	v17 =	vadd.f32 v17, v51;
	v11 =	vadd.f32 v14, v11  }
0xff: {  	v47 =	vld.idx.msk [tilespmem:v0+s1+$0x160 ss:$0x1], $0xffff;
	v13 =	vadd.f32 v55, v13;
	v21 =	vadd.f32 v58, v57  }
0x100: {  	v48 =	vld.idx.msk [tilespmem:v0+s1+$0x1E0 ss:$0x1], $0xffff;
	v39 =	vadd.f32 v62, v60;
	v41 =	vadd.f32 v37, v36  }
0x101: {  	v49 =	vld.idx.msk [tilespmem:v0+s1+$0x260 ss:$0x1], $0xffff;
	v29 =	vadd.f32 v44, v43;
	v52 =	vadd.f32 v18, v46  }
0x102: {  	v51 =	vld.idx.msk [tilespmem:v0+s1+$0x2E0 ss:$0x1], $0xffff;
	v12 =	vadd.f32 v12, v15;
	v50 =	vadd.f32 v22, v19  }
0x103: {  	v53 =	vld.idx.msk [tilespmem:v0+s1+$0x360 ss:$0x1], $0xffff;
	v11 =	vadd.f32 v11, v17;
	v55 =	vadd.f32 v28, v25  }
0x104: {  	v54 =	vld.idx.msk [tilespmem:v0+s1+$0x3E0 ss:$0x1], $0xffff;
	v6 =	vadd.f32 v13, v6;
	v7 =	vadd.f32 v21, v7  }
0x105: {  	v13 =	vadd.f32 v41, v39;
	v12 =	vadd.f32 v50, v12  }
0x106: {  	v56 =	vadd.f32 v59, v56;
	v57 =	vadd.f32 v63, v61  }
0x107: {  	p0 =	slt.u32 s29, $0x2;
	v16 =	vadd.f32 v40, v38;
	v58 =	vadd.f32 v45, v42  }
0x108: {  	s0 =	sadd.s32 @!p0 $0x9, s30;
	v59 =	vadd.f32 v48, v47;
	v14 =	vadd.f32 v51, v49  }
0x109: {  	_ =	swait.ge @!p0 [sflag:s0], $0x80;
	v0 =	vadd.f32 v54, v53;
	v63 =	vadd.f32 v10, v9  }
0x10a: {  	[sflag:s0] =	ssyncset.done @!p0 $0x0;
	v5 =	vadd.f32 v13, v5;
	v13 =	vadd.f32 v52, v29  }
0x10b: {  	s16 =	sshll.u32 s30, $0x7;
	[sflag:s0] =	ssyncadd.s32 @!p0 $0xFFFFFF80;
	v11 =	vadd.f32 v12, v11;
	v12 =	vadd.f32 v56, v55  }
0x10c: {  	[tilespmem:s16+$0x19400] =	vst v6;
	v60 =	vadd.f32 v16, v57;
	v61 =	vadd.f32 v59, v58  }
0x10d: {  	[tilespmem:s16+$0x19410] =	vst v7;
	v0 =	vadd.f32 v0, v14;
	v1 =	vadd.f32 v63, v1  }
0x10e: {  	s18 =	sadd.s32 s5, s29;
	s8 =	sshll.u32 s29, $0x4;
	s29 =	sadd.s32 $0x1, s29;
	v2 =	vadd.f32 v13, v2;
	[tilespmem:s16+$0x19420] =	vst v5;
	v62 =	vadd.f32 v60, v12  }
0x10f: {  	p0 =	sne.s32 s29, $0x80;
	v3 =	vadd.f32 v11, v3;
	v0 =	vadd.f32 v0, v61;
	[tilespmem:s16+$0x19470] =	vst v1  }
.Ltmp1:
0x110: {  	[tilespmem:s16+$0x19430] =	vst v2;
	v4 =	vadd.f32 v62, v4;
	(pc) =	sbr.rel @p0 .LBB2_2-.Ltmp1, $4  }
0x111: {  	s8 =	sand.u32 $0x70, s8;
	s1 =	sshll.u32 s18, $0x4;
	v0 =	vadd.f32 v0, v8;
	[tilespmem:s16+$0x19440] =	vst v3  }
0x112: {  	s26 =	sadd.s32 $0x1, s26;
	s8 =	sadd.s32 s3, s8;
	s1 =	sand.u32 $0xFF80, s1;
	[tilespmem:s16+$0x19450] =	vst v4  }
0x113: {  	s0 =	sor.u32 $0x19400, s16;
	s1 =	sadd.s32 s1, s8;
	[tilespmem:s16+$0x19460] =	vst v0;
	s16 =	sadd.s32 $0x9, s30  }
0x114: {  	[hbm4b:s1+s4] =	stream.linear.scatter [tilespmem:s0], [sflag:s16], $0x80, $0x38;
	[tilespmem:$0x19500] =	vst v63  }
0x115: {  	s24 =	sadd.s32 $0x1, s24  }
0x116: {  	_ =	swait.ge [sflag:s21], $0x80;
	p0 =	sne.s32 s24, s11  }
.Ltmp2:
0x117: {  	[sflag:s21] =	ssyncset.done $0x0;
	(pc) =	sbr.rel @p0 .LBB2_1-.Ltmp2, $4  }
0x118: {  	[sflag:s21] =	ssyncadd.s32 $0xFFFFFF80  }
0x119: {  	_ =	swait.ge [sflag:s22], $0x80  }
0x11a: {  	[sflag:s22] =	ssyncset.done $0x0  }
0x11b: {  	[sflag:s22] =	ssyncadd.s32 $0xFFFFFF80  }
0x11c: {  	_ =	sfence.sel $0x180000  }
0x11d: {  	[bflag:$0x0] =	sbarrier.arrive $0xFFFF  }
0x11e: {  	_ =	strace $0x90000047  }
0x11f: {  	s0 =	stileid.u32;
	[bflag:$0x2] =	sbarrier.arrive $0xFFFF  }
0x120: {  	p0 =	sne.s32 s0, $0x0;
	s0 =	rddreg [dreg:$0x3]  }
0x121: {  	s0 =	sadd.s32 @!p0 $0x100000, s0  }
0x122: {  	[sflag:s0] =	ssyncadd.tile.s32 @!p0 $0x1;
	_ =	shalt  }
.Lfunc_end2:
_tile_overlayer_lowered:
.L_overlay_start_2:
0x123: {  	(tag) =	ssettag $0x2  }
0x124: {  	s0 =	rddreg [dreg:$0x0];
	s2 =	stileid.u32  }
0x125: {  	s1 =	rddreg [dreg:$0x1];
	p0 =	sne.s32 s2, $0x0  }
0x126: {  	s3 =	rddreg [dreg:$0x2];
	[bflag:$0x3] =	sbarrier.arrive $0xFFFF;
	s2 =	simm.s32 @!p0 $0x1C0B  }
0x127: {  	[timem:s3], [sflag:s2] =	dma.local @!p0 [hbm:s0], s1  }
0x128: {  	s0 =	simm.s32 @!p0 $0xB  }
0x129: {  	_ =	swait.ge @!p0 [sflag:s0], s1  }
0x12a: {  	s1 =	ssub.s32 @!p0 $0x0, s1;
	[sflag:s0] =	ssyncset.done @!p0 $0x0  }
0x12b: {  	[sflag:s0] =	ssyncadd.s32 @!p0 s1  }
0x12c: {  	[bflag:$0x3] =	sbarrier.arrive $0xFFFF  }
0x12d: {  	_ =	shalt  }

</sc_bundles>
